<compile_context>
chip_gen: v7x
topology: tpu7x:2x2x1
jax: 0.10.2.dev20260603
libtpu: 0.0.44.dev20260713+nightly
codegen_flags: <defaults>
</compile_context>

<pallas_src>
import functools

import jax
import jax.numpy as jnp
from jax import lax
from jax.experimental import pallas as pl
from jax.experimental.pallas import tpu as pltpu
from jax.experimental.pallas import tpu_sc as plsc

_B, _C, _T = 32, 64, 4096
_L = 16
_TIME_JITTER = 64
_NOISE_SIGMA = 0.02
_CHANNEL_DROP_P = 0.1
_TIME_WARP_PCT = 0.05

_consts_cache = None


def _aug_consts():
    global _consts_cache
    if _consts_cache is None:
        key = jax.random.key(42)
        ks, kn, kd, kw = jax.random.split(key, 4)
        shift = jax.random.randint(ks, (_B,), -_TIME_JITTER, _TIME_JITTER + 1)
        noise = jax.random.normal(kn, (_B, _C, _T), dtype=jnp.float32)
        drop = (jax.random.uniform(kd, (_B, _C, 1)) < _CHANNEL_DROP_P).astype(
            jnp.float32)
        warp = 1.0 + (2.0 * jax.random.uniform(kw, (_B,)) - 1.0) * _TIME_WARP_PCT
        grid = jnp.linspace(0.0, 1.0, _T)
        t_new = jnp.clip(grid[None, :] * warp[:, None], 0.0, 1.0)
        widx = jnp.round(t_new * (_T - 1)).astype(jnp.int32)
        src = widx - shift[:, None]
        m = ((src >= 0) & (src < _T)).astype(jnp.float32)
        j = jnp.clip(src, 0, _T - 1).astype(jnp.int32)
        na = _NOISE_SIGMA * jnp.take_along_axis(
            noise, jnp.broadcast_to(widx[:, None, :], (_B, _C, _T)), axis=2)
        dp = jnp.broadcast_to(2.0 - drop, (_B, _C, _L))
        _consts_cache = tuple(
            jax.device_put(v) for v in (na, j, m, dp + 0.0))
    return _consts_cache


def _body(x_h, na_h, j_h, m_h, mm_h, dp_h, out_h,
          jv, mv, mmv, dpv, xrow, narow, orow):
    b = lax.axis_index("s") * 2 + lax.axis_index("c")
    pltpu.sync_copy(j_h.at[b], jv)
    pltpu.sync_copy(m_h.at[b], mv)
    pltpu.sync_copy(mm_h.at[b], mmv)
    pltpu.sync_copy(dp_h.at[b], dpv)

    def chan(c, carry):
        pltpu.sync_copy(x_h.at[b, c], xrow)
        pltpu.sync_copy(na_h.at[b, c], narow)
        coef = (1.0 - mmv[c]) * dpv[c]

        def step(i, carry2):
            s = i * _L
            idx = jv[pl.ds(s, _L)]
            g = plsc.load_gather(xrow, [idx])
            orow[pl.ds(s, _L)] = coef * (mv[pl.ds(s, _L)] * g
                                         + narow[pl.ds(s, _L)])
            return carry2

        lax.fori_loop(0, _T // _L, step, 0)
        pltpu.sync_copy(orow, out_h.at[b, c])
        return carry

    lax.fori_loop(0, _C, chan, 0)


_kernel_cache = None


def _raw_aug():
    global _kernel_cache
    if _kernel_cache is None:
        _kernel_cache = functools.partial(
            pl.kernel,
            out_type=jax.ShapeDtypeStruct((_B, _C, _T), jnp.float32),
            mesh=plsc.VectorSubcoreMesh(core_axis_name="c",
                                        subcore_axis_name="s"),
            compiler_params=pltpu.CompilerParams(needs_layout_passes=False),
            scratch_types=[
                pltpu.VMEM((_T,), jnp.int32),
                pltpu.VMEM((_T,), jnp.float32),
                pltpu.VMEM((_C, _L), jnp.float32),
                pltpu.VMEM((_C, _L), jnp.float32),
                pltpu.VMEM((_T,), jnp.float32),
                pltpu.VMEM((_T,), jnp.float32),
                pltpu.VMEM((_T,), jnp.float32),
            ],
        )(_body)
    return _kernel_cache


def kernel(x, mask_missing):
    na, j, m, dp = _aug_consts()
    mm = jnp.broadcast_to(
        mask_missing.astype(jnp.float32).reshape(_B, _C)[:, :, None],
        (_B, _C, _L))
    return _raw_aug()(x, na, j, m, mm, dp)

# --- scband reference (transcript-rebuilt; emitter-appended) ---
"""Pipeline reference for scband-raw-aug-18184891531450 (READ-ONLY COPY).

The authoritative reference and input builder live on the scoring server;
editing this copy changes nothing except your own understanding.
"""

import jax, jax.numpy as jnp
import numpy as np

TIME_JITTER = 64
NOISE_SIGMA = 0.02
CHANNEL_DROP_P = 0.1
TIME_WARP_PCT = 0.05


def setup_inputs(seed: int = 0) -> dict:
    key = jax.random.key(seed)
    k1, k2 = jax.random.split(key)
    x = jax.random.normal(k1, (32, 64, 4096), dtype=jnp.float32)
    mask_missing = jnp.zeros((32, 64), dtype=jnp.float32)
    return {"x": x, "mask_missing": mask_missing}


def reference(x, mask_missing):
    B, C, T = x.shape
    key = jax.random.key(42)
    ks, kn, kd, kw = jax.random.split(key, 4)
    # time jitter: per-sample integer shift with zero padding
    shift = jax.random.randint(ks, (B,), -TIME_JITTER, TIME_JITTER + 1)
    t = jnp.arange(T)
    src = t[None, :] - shift[:, None]            # [B, T] source index
    valid = (src >= 0) & (src < T)
    src_c = jnp.clip(src, 0, T - 1)
    idx = jnp.broadcast_to(src_c[:, None, :], (B, C, T))
    x2 = jnp.where(valid[:, None, :], jnp.take_along_axis(x, idx, axis=2), 0.0)
    # additive gaussian noise
    x2 = x2 + NOISE_SIGMA * jax.random.normal(kn, x2.shape, dtype=x2.dtype)
    # channel dropout + missing-channel mask
    drop = (jax.random.uniform(kd, (B, C, 1)) < CHANNEL_DROP_P).astype(x2.dtype)
    mm = mask_missing[:, :, None] if mask_missing.ndim == 2 else mask_missing
    x2 = x2 * (1.0 - drop) * (1.0 - mm) + x2 * (1.0 - mm)
    # time warp via nearest-neighbor resampling
    warp = 1.0 + (2.0 * jax.random.uniform(kw, (B,)) - 1.0) * TIME_WARP_PCT
    grid = jnp.linspace(0.0, 1.0, T)
    t_new = jnp.clip(grid[None, :] * warp[:, None], 0.0, 1.0)   # [B, T]
    widx = jnp.round(t_new * (T - 1)).astype(jnp.int32)
    widx_full = jnp.broadcast_to(widx[:, None, :], (B, C, T))
    out = jnp.take_along_axis(x2, widx_full, axis=2)
    return out

if __name__ == "__main__":
    import jax
    _d = setup_inputs()
    print(jax.jit(kernel)(*tuple(_d.values())))

</pallas_src>

<mosaic_0001>
#map = affine_map<(d0, d1) -> (0, 0, 0)>
#map1 = affine_map<(d0, d1) -> (0, 0)>
module attributes {stable_mosaic.version = 14 : i64} {
  func.func @_body(%arg0: i32, %arg1: i32, %arg2: memref<32x64x4096xf32, #tpu.memory_space<hbm>>, %arg3: memref<32x64x4096xf32, #tpu.memory_space<hbm>>, %arg4: memref<32x4096xi32, #tpu.memory_space<hbm>>, %arg5: memref<32x4096xf32, #tpu.memory_space<hbm>>, %arg6: memref<32x64x16xf32, #tpu.memory_space<hbm>>, %arg7: memref<32x64x16xf32, #tpu.memory_space<hbm>>, %arg8: memref<32x64x4096xf32, #tpu.memory_space<hbm>>, %arg9: memref<4096xi32, #tpu.memory_space<vmem>>, %arg10: memref<4096xf32, #tpu.memory_space<vmem>>, %arg11: memref<64x16xf32, #tpu.memory_space<vmem>>, %arg12: memref<64x16xf32, #tpu.memory_space<vmem>>, %arg13: memref<4096xf32, #tpu.memory_space<vmem>>, %arg14: memref<4096xf32, #tpu.memory_space<vmem>>, %arg15: memref<4096xf32, #tpu.memory_space<vmem>>) attributes {dimension_semantics = [#tpu.dimension_semantics<core_parallel>, #tpu.dimension_semantics<subcore_parallel>], iteration_bounds = array<i64: 2, 16>, scalar_prefetch = 0 : i64, scratch_operands = 7 : i64, tpu.core_type = #tpu.core_type<sc_vector_subcore>, window_params = [{transform_indices = #map}, {transform_indices = #map}, {transform_indices = #map1}, {transform_indices = #map1}, {transform_indices = #map}, {transform_indices = #map}, {transform_indices = #map}]} {
    %mul3A = arith.constant 2 : i32
    %mul3A_0 = arith.muli %arg1, %mul3A : i32
    %add3A = arith.addi %mul3A_0, %arg0 : i32
    "tpu.region"() ({
      %run_scoped3A = tpu.sem_alloc : memref<!tpu.dma_semaphore, #tpu.memory_space<semaphore_mem>>
      %dma_start3A = arith.constant 0 : i32
      %dma_start3A_6 = tpu.memref_slice %arg4[%add3A, %dma_start3A] : memref<32x4096xi32, #tpu.memory_space<hbm>> -> memref<1x4096xi32, #tpu.memory_space<hbm>>
      %dma_start3A_7 = tpu.memref_squeeze %dma_start3A_6 : memref<1x4096xi32, #tpu.memory_space<hbm>> -> memref<4096xi32, #tpu.memory_space<hbm>>
      %dma_start3A_8 = arith.constant 0 : i32
      %dma_start3A_9 = tpu.memref_slice %arg4[%add3A, %dma_start3A_8] : memref<32x4096xi32, #tpu.memory_space<hbm>> -> memref<1x4096xi32, #tpu.memory_space<hbm>>
      %dma_start3A_10 = tpu.memref_squeeze %dma_start3A_9 : memref<1x4096xi32, #tpu.memory_space<hbm>> -> memref<4096xi32, #tpu.memory_space<hbm>>
      tpu.enqueue_dma source(%dma_start3A_10 : memref<4096xi32, #tpu.memory_space<hbm>>) target(%arg9 : memref<4096xi32, #tpu.memory_space<vmem>>) target_semaphore(%run_scoped3A : memref<!tpu.dma_semaphore, #tpu.memory_space<semaphore_mem>>)
      %dma_wait3A = arith.constant 0 : i32
      %dma_wait3A_11 = tpu.memref_slice %arg4[%add3A, %dma_wait3A] : memref<32x4096xi32, #tpu.memory_space<hbm>> -> memref<1x4096xi32, #tpu.memory_space<hbm>>
      %dma_wait3A_12 = tpu.memref_squeeze %dma_wait3A_11 : memref<1x4096xi32, #tpu.memory_space<hbm>> -> memref<4096xi32, #tpu.memory_space<hbm>>
      %dma_wait3A_13 = arith.constant 0 : i32
      %dma_wait3A_14 = tpu.memref_slice %arg4[%add3A, %dma_wait3A_13] : memref<32x4096xi32, #tpu.memory_space<hbm>> -> memref<1x4096xi32, #tpu.memory_space<hbm>>
      %dma_wait3A_15 = tpu.memref_squeeze %dma_wait3A_14 : memref<1x4096xi32, #tpu.memory_space<hbm>> -> memref<4096xi32, #tpu.memory_space<hbm>>
      tpu.wait_dma2 semaphore(%run_scoped3A : memref<!tpu.dma_semaphore, #tpu.memory_space<semaphore_mem>>) src(%dma_wait3A_15 : memref<4096xi32, #tpu.memory_space<hbm>>) dst(%arg9 : memref<4096xi32, #tpu.memory_space<vmem>>)
      tpu.yield
    }) : () -> ()
    "tpu.region"() ({
      %run_scoped3A = tpu.sem_alloc : memref<!tpu.dma_semaphore, #tpu.memory_space<semaphore_mem>>
      %dma_start3A = arith.constant 0 : i32
      %dma_start3A_6 = tpu.memref_slice %arg5[%add3A, %dma_start3A] : memref<32x4096xf32, #tpu.memory_space<hbm>> -> memref<1x4096xf32, #tpu.memory_space<hbm>>
      %dma_start3A_7 = tpu.memref_squeeze %dma_start3A_6 : memref<1x4096xf32, #tpu.memory_space<hbm>> -> memref<4096xf32, #tpu.memory_space<hbm>>
      %dma_start3A_8 = arith.constant 0 : i32
      %dma_start3A_9 = tpu.memref_slice %arg5[%add3A, %dma_start3A_8] : memref<32x4096xf32, #tpu.memory_space<hbm>> -> memref<1x4096xf32, #tpu.memory_space<hbm>>
      %dma_start3A_10 = tpu.memref_squeeze %dma_start3A_9 : memref<1x4096xf32, #tpu.memory_space<hbm>> -> memref<4096xf32, #tpu.memory_space<hbm>>
      tpu.enqueue_dma source(%dma_start3A_10 : memref<4096xf32, #tpu.memory_space<hbm>>) target(%arg10 : memref<4096xf32, #tpu.memory_space<vmem>>) target_semaphore(%run_scoped3A : memref<!tpu.dma_semaphore, #tpu.memory_space<semaphore_mem>>)
      %dma_wait3A = arith.constant 0 : i32
      %dma_wait3A_11 = tpu.memref_slice %arg5[%add3A, %dma_wait3A] : memref<32x4096xf32, #tpu.memory_space<hbm>> -> memref<1x4096xf32, #tpu.memory_space<hbm>>
      %dma_wait3A_12 = tpu.memref_squeeze %dma_wait3A_11 : memref<1x4096xf32, #tpu.memory_space<hbm>> -> memref<4096xf32, #tpu.memory_space<hbm>>
      %dma_wait3A_13 = arith.constant 0 : i32
      %dma_wait3A_14 = tpu.memref_slice %arg5[%add3A, %dma_wait3A_13] : memref<32x4096xf32, #tpu.memory_space<hbm>> -> memref<1x4096xf32, #tpu.memory_space<hbm>>
      %dma_wait3A_15 = tpu.memref_squeeze %dma_wait3A_14 : memref<1x4096xf32, #tpu.memory_space<hbm>> -> memref<4096xf32, #tpu.memory_space<hbm>>
      tpu.wait_dma2 semaphore(%run_scoped3A : memref<!tpu.dma_semaphore, #tpu.memory_space<semaphore_mem>>) src(%dma_wait3A_15 : memref<4096xf32, #tpu.memory_space<hbm>>) dst(%arg10 : memref<4096xf32, #tpu.memory_space<vmem>>)
      tpu.yield
    }) : () -> ()
    "tpu.region"() ({
      %run_scoped3A = tpu.sem_alloc : memref<!tpu.dma_semaphore, #tpu.memory_space<semaphore_mem>>
      %dma_start3A = arith.constant 0 : i32
      %dma_start3A_6 = arith.constant 0 : i32
      %dma_start3A_7 = tpu.memref_slice %arg6[%add3A, %dma_start3A, %dma_start3A_6] : memref<32x64x16xf32, #tpu.memory_space<hbm>> -> memref<1x64x16xf32, #tpu.memory_space<hbm>>
      %dma_start3A_8 = tpu.memref_squeeze %dma_start3A_7 : memref<1x64x16xf32, #tpu.memory_space<hbm>> -> memref<64x16xf32, #tpu.memory_space<hbm>>
      %dma_start3A_9 = arith.constant 0 : i32
      %dma_start3A_10 = arith.constant 0 : i32
      %dma_start3A_11 = tpu.memref_slice %arg6[%add3A, %dma_start3A_9, %dma_start3A_10] : memref<32x64x16xf32, #tpu.memory_space<hbm>> -> memref<1x64x16xf32, #tpu.memory_space<hbm>>
      %dma_start3A_12 = tpu.memref_squeeze %dma_start3A_11 : memref<1x64x16xf32, #tpu.memory_space<hbm>> -> memref<64x16xf32, #tpu.memory_space<hbm>>
      tpu.enqueue_dma source(%dma_start3A_12 : memref<64x16xf32, #tpu.memory_space<hbm>>) target(%arg11 : memref<64x16xf32, #tpu.memory_space<vmem>>) target_semaphore(%run_scoped3A : memref<!tpu.dma_semaphore, #tpu.memory_space<semaphore_mem>>)
      %dma_wait3A = arith.constant 0 : i32
      %dma_wait3A_13 = arith.constant 0 : i32
      %dma_wait3A_14 = tpu.memref_slice %arg6[%add3A, %dma_wait3A, %dma_wait3A_13] : memref<32x64x16xf32, #tpu.memory_space<hbm>> -> memref<1x64x16xf32, #tpu.memory_space<hbm>>
      %dma_wait3A_15 = tpu.memref_squeeze %dma_wait3A_14 : memref<1x64x16xf32, #tpu.memory_space<hbm>> -> memref<64x16xf32, #tpu.memory_space<hbm>>
      %dma_wait3A_16 = arith.constant 0 : i32
      %dma_wait3A_17 = arith.constant 0 : i32
      %dma_wait3A_18 = tpu.memref_slice %arg6[%add3A, %dma_wait3A_16, %dma_wait3A_17] : memref<32x64x16xf32, #tpu.memory_space<hbm>> -> memref<1x64x16xf32, #tpu.memory_space<hbm>>
      %dma_wait3A_19 = tpu.memref_squeeze %dma_wait3A_18 : memref<1x64x16xf32, #tpu.memory_space<hbm>> -> memref<64x16xf32, #tpu.memory_space<hbm>>
      tpu.wait_dma2 semaphore(%run_scoped3A : memref<!tpu.dma_semaphore, #tpu.memory_space<semaphore_mem>>) src(%dma_wait3A_19 : memref<64x16xf32, #tpu.memory_space<hbm>>) dst(%arg11 : memref<64x16xf32, #tpu.memory_space<vmem>>)
      tpu.yield
    }) : () -> ()
    "tpu.region"() ({
      %run_scoped3A = tpu.sem_alloc : memref<!tpu.dma_semaphore, #tpu.memory_space<semaphore_mem>>
      %dma_start3A = arith.constant 0 : i32
      %dma_start3A_6 = arith.constant 0 : i32
      %dma_start3A_7 = tpu.memref_slice %arg7[%add3A, %dma_start3A, %dma_start3A_6] : memref<32x64x16xf32, #tpu.memory_space<hbm>> -> memref<1x64x16xf32, #tpu.memory_space<hbm>>
      %dma_start3A_8 = tpu.memref_squeeze %dma_start3A_7 : memref<1x64x16xf32, #tpu.memory_space<hbm>> -> memref<64x16xf32, #tpu.memory_space<hbm>>
      %dma_start3A_9 = arith.constant 0 : i32
      %dma_start3A_10 = arith.constant 0 : i32
      %dma_start3A_11 = tpu.memref_slice %arg7[%add3A, %dma_start3A_9, %dma_start3A_10] : memref<32x64x16xf32, #tpu.memory_space<hbm>> -> memref<1x64x16xf32, #tpu.memory_space<hbm>>
      %dma_start3A_12 = tpu.memref_squeeze %dma_start3A_11 : memref<1x64x16xf32, #tpu.memory_space<hbm>> -> memref<64x16xf32, #tpu.memory_space<hbm>>
      tpu.enqueue_dma source(%dma_start3A_12 : memref<64x16xf32, #tpu.memory_space<hbm>>) target(%arg12 : memref<64x16xf32, #tpu.memory_space<vmem>>) target_semaphore(%run_scoped3A : memref<!tpu.dma_semaphore, #tpu.memory_space<semaphore_mem>>)
      %dma_wait3A = arith.constant 0 : i32
      %dma_wait3A_13 = arith.constant 0 : i32
      %dma_wait3A_14 = tpu.memref_slice %arg7[%add3A, %dma_wait3A, %dma_wait3A_13] : memref<32x64x16xf32, #tpu.memory_space<hbm>> -> memref<1x64x16xf32, #tpu.memory_space<hbm>>
      %dma_wait3A_15 = tpu.memref_squeeze %dma_wait3A_14 : memref<1x64x16xf32, #tpu.memory_space<hbm>> -> memref<64x16xf32, #tpu.memory_space<hbm>>
      %dma_wait3A_16 = arith.constant 0 : i32
      %dma_wait3A_17 = arith.constant 0 : i32
      %dma_wait3A_18 = tpu.memref_slice %arg7[%add3A, %dma_wait3A_16, %dma_wait3A_17] : memref<32x64x16xf32, #tpu.memory_space<hbm>> -> memref<1x64x16xf32, #tpu.memory_space<hbm>>
      %dma_wait3A_19 = tpu.memref_squeeze %dma_wait3A_18 : memref<1x64x16xf32, #tpu.memory_space<hbm>> -> memref<64x16xf32, #tpu.memory_space<hbm>>
      tpu.wait_dma2 semaphore(%run_scoped3A : memref<!tpu.dma_semaphore, #tpu.memory_space<semaphore_mem>>) src(%dma_wait3A_19 : memref<64x16xf32, #tpu.memory_space<hbm>>) dst(%arg12 : memref<64x16xf32, #tpu.memory_space<vmem>>)
      tpu.yield
    }) : () -> ()
    %scan3A = arith.constant 0 : i32
    %scan3A_1 = arith.constant 0 : i32
    %scan3A_2 = arith.constant 64 : i32
    %scan3A_3 = arith.addi %scan3A_1, %scan3A_2 : i32
    %scan3A_4 = arith.constant 1 : i32
    scf.for %scan3A_6 = %scan3A_1 to %scan3A_3 step %scan3A_4  : i32 {
      "tpu.region"() ({
        %run_scoped3A = tpu.sem_alloc : memref<!tpu.dma_semaphore, #tpu.memory_space<semaphore_mem>>
        %dma_start3A = arith.constant 0 : i32
        %dma_start3A_21 = tpu.memref_slice %arg2[%add3A, %scan3A_6, %dma_start3A] : memref<32x64x4096xf32, #tpu.memory_space<hbm>> -> memref<1x1x4096xf32, #tpu.memory_space<hbm>>
        %dma_start3A_22 = tpu.memref_squeeze %dma_start3A_21 : memref<1x1x4096xf32, #tpu.memory_space<hbm>> -> memref<4096xf32, #tpu.memory_space<hbm>>
        %dma_start3A_23 = arith.constant 0 : i32
        %dma_start3A_24 = tpu.memref_slice %arg2[%add3A, %scan3A_6, %dma_start3A_23] : memref<32x64x4096xf32, #tpu.memory_space<hbm>> -> memref<1x1x4096xf32, #tpu.memory_space<hbm>>
        %dma_start3A_25 = tpu.memref_squeeze %dma_start3A_24 : memref<1x1x4096xf32, #tpu.memory_space<hbm>> -> memref<4096xf32, #tpu.memory_space<hbm>>
        tpu.enqueue_dma source(%dma_start3A_25 : memref<4096xf32, #tpu.memory_space<hbm>>) target(%arg13 : memref<4096xf32, #tpu.memory_space<vmem>>) target_semaphore(%run_scoped3A : memref<!tpu.dma_semaphore, #tpu.memory_space<semaphore_mem>>)
        %dma_wait3A = arith.constant 0 : i32
        %dma_wait3A_26 = tpu.memref_slice %arg2[%add3A, %scan3A_6, %dma_wait3A] : memref<32x64x4096xf32, #tpu.memory_space<hbm>> -> memref<1x1x4096xf32, #tpu.memory_space<hbm>>
        %dma_wait3A_27 = tpu.memref_squeeze %dma_wait3A_26 : memref<1x1x4096xf32, #tpu.memory_space<hbm>> -> memref<4096xf32, #tpu.memory_space<hbm>>
        %dma_wait3A_28 = arith.constant 0 : i32
        %dma_wait3A_29 = tpu.memref_slice %arg2[%add3A, %scan3A_6, %dma_wait3A_28] : memref<32x64x4096xf32, #tpu.memory_space<hbm>> -> memref<1x1x4096xf32, #tpu.memory_space<hbm>>
        %dma_wait3A_30 = tpu.memref_squeeze %dma_wait3A_29 : memref<1x1x4096xf32, #tpu.memory_space<hbm>> -> memref<4096xf32, #tpu.memory_space<hbm>>
        tpu.wait_dma2 semaphore(%run_scoped3A : memref<!tpu.dma_semaphore, #tpu.memory_space<semaphore_mem>>) src(%dma_wait3A_30 : memref<4096xf32, #tpu.memory_space<hbm>>) dst(%arg13 : memref<4096xf32, #tpu.memory_space<vmem>>)
        tpu.yield
      }) : () -> ()
      "tpu.region"() ({
        %run_scoped3A = tpu.sem_alloc : memref<!tpu.dma_semaphore, #tpu.memory_space<semaphore_mem>>
        %dma_start3A = arith.constant 0 : i32
        %dma_start3A_21 = tpu.memref_slice %arg3[%add3A, %scan3A_6, %dma_start3A] : memref<32x64x4096xf32, #tpu.memory_space<hbm>> -> memref<1x1x4096xf32, #tpu.memory_space<hbm>>
        %dma_start3A_22 = tpu.memref_squeeze %dma_start3A_21 : memref<1x1x4096xf32, #tpu.memory_space<hbm>> -> memref<4096xf32, #tpu.memory_space<hbm>>
        %dma_start3A_23 = arith.constant 0 : i32
        %dma_start3A_24 = tpu.memref_slice %arg3[%add3A, %scan3A_6, %dma_start3A_23] : memref<32x64x4096xf32, #tpu.memory_space<hbm>> -> memref<1x1x4096xf32, #tpu.memory_space<hbm>>
        %dma_start3A_25 = tpu.memref_squeeze %dma_start3A_24 : memref<1x1x4096xf32, #tpu.memory_space<hbm>> -> memref<4096xf32, #tpu.memory_space<hbm>>
        tpu.enqueue_dma source(%dma_start3A_25 : memref<4096xf32, #tpu.memory_space<hbm>>) target(%arg14 : memref<4096xf32, #tpu.memory_space<vmem>>) target_semaphore(%run_scoped3A : memref<!tpu.dma_semaphore, #tpu.memory_space<semaphore_mem>>)
        %dma_wait3A = arith.constant 0 : i32
        %dma_wait3A_26 = tpu.memref_slice %arg3[%add3A, %scan3A_6, %dma_wait3A] : memref<32x64x4096xf32, #tpu.memory_space<hbm>> -> memref<1x1x4096xf32, #tpu.memory_space<hbm>>
        %dma_wait3A_27 = tpu.memref_squeeze %dma_wait3A_26 : memref<1x1x4096xf32, #tpu.memory_space<hbm>> -> memref<4096xf32, #tpu.memory_space<hbm>>
        %dma_wait3A_28 = arith.constant 0 : i32
        %dma_wait3A_29 = tpu.memref_slice %arg3[%add3A, %scan3A_6, %dma_wait3A_28] : memref<32x64x4096xf32, #tpu.memory_space<hbm>> -> memref<1x1x4096xf32, #tpu.memory_space<hbm>>
        %dma_wait3A_30 = tpu.memref_squeeze %dma_wait3A_29 : memref<1x1x4096xf32, #tpu.memory_space<hbm>> -> memref<4096xf32, #tpu.memory_space<hbm>>
        tpu.wait_dma2 semaphore(%run_scoped3A : memref<!tpu.dma_semaphore, #tpu.memory_space<semaphore_mem>>) src(%dma_wait3A_30 : memref<4096xf32, #tpu.memory_space<hbm>>) dst(%arg14 : memref<4096xf32, #tpu.memory_space<vmem>>)
        tpu.yield
      }) : () -> ()
      %get3A = arith.index_cast %scan3A_6 : i32 to index
      %get3A_7 = arith.constant 0 : index
      %get3A_8 = tpu.vector_load %arg11[%get3A, %get3A_7] {strides = array<i32>} : memref<64x16xf32, #tpu.memory_space<vmem>>, vector<16xf32>,
      %sub3A = arith.constant 1.000000e+00 : f32
      %sub3A_9 = vector.broadcast %sub3A : f32 to vector<16xf32>
      %sub3A_10 = arith.subf %sub3A_9, %get3A_8 : vector<16xf32>
      %get3A_11 = arith.index_cast %scan3A_6 : i32 to index
      %get3A_12 = arith.constant 0 : index
      %get3A_13 = tpu.vector_load %arg12[%get3A_11, %get3A_12] {strides = array<i32>} : memref<64x16xf32, #tpu.memory_space<vmem>>, vector<16xf32>,
      %mul3A_14 = arith.mulf %sub3A_10, %get3A_13 : vector<16xf32>
      %scan3A_15 = arith.constant 0 : i32
      %scan3A_16 = arith.constant 0 : i32
      %scan3A_17 = arith.constant 256 : i32
      %scan3A_18 = arith.addi %scan3A_16, %scan3A_17 : i32
      %scan3A_19 = arith.constant 1 : i32
      scf.for %scan3A_21 = %scan3A_16 to %scan3A_18 step %scan3A_19  : i32 {
        %mul3A_22 = arith.constant 16 : i32
        %mul3A_23 = arith.muli %scan3A_21, %mul3A_22 : i32
        %get3A_24 = arith.index_cast %mul3A_23 : i32 to index
        %get3A_25 = tpu.vector_load %arg9[%get3A_24] {strides = array<i32>} : memref<4096xi32, #tpu.memory_space<vmem>>, vector<16xi32>,
        %gather3A = tpu.vector_load_idx %arg13[%get3A_25] : memref<4096xf32, #tpu.memory_space<vmem>>[vector<16xi32>], vector<16xf32>,
        %get3A_26 = arith.index_cast %mul3A_23 : i32 to index
        %get3A_27 = tpu.vector_load %arg10[%get3A_26] {strides = array<i32>} : memref<4096xf32, #tpu.memory_space<vmem>>, vector<16xf32>,
        %mul3A_28 = arith.mulf %get3A_27, %gather3A : vector<16xf32>
        %get3A_29 = arith.index_cast %mul3A_23 : i32 to index
        %get3A_30 = tpu.vector_load %arg14[%get3A_29] {strides = array<i32>} : memref<4096xf32, #tpu.memory_space<vmem>>, vector<16xf32>,
        %add3A_31 = arith.addf %mul3A_28, %get3A_30 : vector<16xf32>
        %mul3A_32 = arith.mulf %mul3A_14, %add3A_31 : vector<16xf32>
        %swap3A = arith.index_cast %mul3A_23 : i32 to index
        %swap3A_33 = tpu.vector_load %arg15[%swap3A] {strides = array<i32>} : memref<4096xf32, #tpu.memory_space<vmem>>, vector<16xf32>,
        tpu.vector_store %arg15[%swap3A], %mul3A_32 {strides = array<i32>} : memref<4096xf32, #tpu.memory_space<vmem>>, vector<16xf32>,
      }
      %scan3A_20 = arith.constant 256 : i32
      "tpu.region"() ({
        %run_scoped3A = tpu.sem_alloc : memref<!tpu.dma_semaphore, #tpu.memory_space<semaphore_mem>>
        %dma_start3A = arith.constant 0 : i32
        %dma_start3A_21 = tpu.memref_slice %arg8[%add3A, %scan3A_6, %dma_start3A] : memref<32x64x4096xf32, #tpu.memory_space<hbm>> -> memref<1x1x4096xf32, #tpu.memory_space<hbm>>
        %dma_start3A_22 = tpu.memref_squeeze %dma_start3A_21 : memref<1x1x4096xf32, #tpu.memory_space<hbm>> -> memref<4096xf32, #tpu.memory_space<hbm>>
        %dma_start3A_23 = arith.constant 0 : i32
        %dma_start3A_24 = tpu.memref_slice %arg8[%add3A, %scan3A_6, %dma_start3A_23] : memref<32x64x4096xf32, #tpu.memory_space<hbm>> -> memref<1x1x4096xf32, #tpu.memory_space<hbm>>
        %dma_start3A_25 = tpu.memref_squeeze %dma_start3A_24 : memref<1x1x4096xf32, #tpu.memory_space<hbm>> -> memref<4096xf32, #tpu.memory_space<hbm>>
        tpu.enqueue_dma source(%arg15 : memref<4096xf32, #tpu.memory_space<vmem>>) target(%dma_start3A_25 : memref<4096xf32, #tpu.memory_space<hbm>>) target_semaphore(%run_scoped3A : memref<!tpu.dma_semaphore, #tpu.memory_space<semaphore_mem>>)
        %dma_wait3A = arith.constant 0 : i32
        %dma_wait3A_26 = tpu.memref_slice %arg8[%add3A, %scan3A_6, %dma_wait3A] : memref<32x64x4096xf32, #tpu.memory_space<hbm>> -> memref<1x1x4096xf32, #tpu.memory_space<hbm>>
        %dma_wait3A_27 = tpu.memref_squeeze %dma_wait3A_26 : memref<1x1x4096xf32, #tpu.memory_space<hbm>> -> memref<4096xf32, #tpu.memory_space<hbm>>
        %dma_wait3A_28 = arith.constant 0 : i32
        %dma_wait3A_29 = tpu.memref_slice %arg8[%add3A, %scan3A_6, %dma_wait3A_28] : memref<32x64x4096xf32, #tpu.memory_space<hbm>> -> memref<1x1x4096xf32, #tpu.memory_space<hbm>>
        %dma_wait3A_30 = tpu.memref_squeeze %dma_wait3A_29 : memref<1x1x4096xf32, #tpu.memory_space<hbm>> -> memref<4096xf32, #tpu.memory_space<hbm>>
        tpu.wait_dma2 semaphore(%run_scoped3A : memref<!tpu.dma_semaphore, #tpu.memory_space<semaphore_mem>>) src(%arg15 : memref<4096xf32, #tpu.memory_space<vmem>>) dst(%dma_wait3A_30 : memref<4096xf32, #tpu.memory_space<hbm>>)
        tpu.yield
      }) : () -> ()
    }
    %scan3A_5 = arith.constant 64 : i32
    return
  }
}

</mosaic_0001>

<sc_bundles>
// kernel: gather_offload_async_start
scs
__scs_entry_jumppad:
0x0: {  	(pc) =	sbr.rel $0x88, $3  }
0x1: {  	(tag) =	ssettag $0x0;
	lr =	simm.s32 $0x1  }
0x2: {  	[smem:$0x3F9F] =	sst lr;
	_ =	strace $0xD0000000  }
0x3: {  	_ = 	snop  }
0x4: {  	_ = 	snop  }
0x5: {  	_ = 	snop  }
0x6: {  	_ = 	snop  }
0x7: {  	_ = 	snop  }
__scs_overlays_trampoline_lowered:
0x8: {  	[smem:$0x3FAE] =	sst s0  }
0x9: {  	[smem:$0x3FAF] =	sst s1  }
0xa: {  	[smem:$0x3FB0] =	sst s2  }
0xb: {  	[smem:$0x3FB1] =	sst s3  }
0xc: {  	[smem:$0x3FB2] =	sst s4  }
0xd: {  	[smem:$0x3FB3] =	sst s5  }
0xe: {  	[smem:$0x3FB4] =	sst s6  }
0xf: {  	[smem:$0x3FB5] =	sst s7  }
0x10: {  	[smem:$0x3FB6] =	sst s8  }
0x11: {  	[smem:$0x3FB7] =	sst s9;
	s0 =	simm.s32 @!p0 $0x0  }
0x12: {  	s1 =	sld [smem:$0x3F9D];
	s0 =	simm.s32 @p0 $0x1  }
0x13: {  	[smem:$0x3FB8] =	sst s0;
	s0 =	simm.s32 @!p1 $0x0  }
0x14: {  	s2 =	sld [smem:$0x3F9C];
	s0 =	simm.s32 @p1 $0x1  }
0x15: {  	[smem:$0x3FB9] =	sst s0;
	s0 =	simm.s32 @!p2 $0x0  }
0x16: {  	s3 =	sld [smem:$0x3FDB];
	s0 =	simm.s32 @p2 $0x1  }
0x17: {  	s4 =	simm.s32 $0x1BF5;
	[smem:$0x3FBB] =	sst s0  }
0x18: {  	s0 =	sld [smem:$0x3F9E];
	_ =	swait.ge [sflag:s4], $0x0  }
0x19: {  	s7 =	sld [smem:$0x3F9F]  }
0x1a: {  	s8 =	sadd.s32 $0xFFFFE003, lr  }
0x1b: {  	s9 =	sadd.s32 $0xFFFFFEF7, lr;
	s5 =	simm.s32 $0xFFFFFFFF;
	p2 =	slt.u32 s8, $0xFFFFF086  }
0x1c: {  	p1 =	slt.u32 s9, $0xF7A;
	s5 =	simm.s32 @!p2 $0x0  }
0x1d: {  	s5 =	simm.s32 @p1 $0x1;
	p0 =	seq.s32 s7, s2  }
0x1e: {  	s7 =	smul.u32 @!p0 $0xF7A, s2;
	p2 =	seq.s32 @!p0 s5, $0x0  }
0x1f: {  	s9 =	smul.u32 $0xF7A, s1;
	s8 =	simm.s32 @!p0 $0x1BF5;
	p2 =	por !p2, p0  }
0x20: {  	[sflag:s8] =	ssyncset.s32 @!p0 $0xFFFFF086;
	s6 =	sadd.s32 @!p0 s3, s7;
	s7 =	simm.s32 @!p0 $0x108  }
0x21: {  	s3 =	sadd.s32 s3, s9;
	s6 =	sadd.s32 @!p0 $0x88, s6;
	s7 =	simm.s32 @p2 $0x1082  }
0x22: {  	[simem:s7], [sflag:s8] =	dma.local @!p0 [hbm:s6], $0xF7A  }
0x23: {  	s9 =	sor.u32 $0xD0000000, s2;
	s6 =	simm.s32 $0x108;
	_ =	swait.ge @!p0 [sflag:s8], $0x0  }
0x24: {  	s3 =	sadd.s32 $0x88, s3;
	s6 =	simm.s32 @!p1 $0x1082;
	[sflag:s4] =	ssyncset.s32 $0xFFFFF086  }
0x25: {  	[simem:s6], [sflag:s4] =	dma.local [hbm:s3], $0xF7A  }
0x26: {  	[smem:$0x3F9F] =	sst s1;
	(tag) =	ssettag s2;
	_ =	strace s9  }
0x27: {  	s1 =	sld [smem:$0x3FAF]  }
0x28: {  	s2 =	sld [smem:$0x3FB0]  }
0x29: {  	s4 =	sld [smem:$0x3FB2]  }
0x2a: {  	p0 =	seq.s32 s5, $0x0;
	s5 =	sld [smem:$0x3FB3]  }
0x2b: {  	s6 =	sld [smem:$0x3FB4]  }
0x2c: {  	s7 =	sld [smem:$0x3FB5]  }
0x2d: {  	s3 =	simm.s32 $0x108;
	s8 =	sld [smem:$0x3FB6]  }
0x2e: {  	s3 =	simm.s32 @!p0 $0x1082;
	s9 =	sld [smem:$0x3FB7]  }
0x2f: {  	lr =	sadd.s32 s0, s3;
	s0 =	sld [smem:$0x3FAE]  }
0x30: {  	s3 =	sld [smem:$0x3FB1]  }
0x31: {  	[smem:$0x3FBA] =	sst s10  }
0x32: {  	s10 =	sld [smem:$0x3FB8];
	_ =	sdelay $0x3  }
0x33: {  	p0 =	seq.s32 s10, $0x1;
	s10 =	sld [smem:$0x3FBA];
	_ =	sdelay $0x3  }
0x34: {  	[smem:$0x3FBA] =	sst s10  }
0x35: {  	s10 =	sld [smem:$0x3FB9];
	_ =	sdelay $0x3  }
0x36: {  	p1 =	seq.s32 s10, $0x1;
	s10 =	sld [smem:$0x3FBA];
	_ =	sdelay $0x3  }
0x37: {  	[smem:$0x3FBA] =	sst s10  }
0x38: {  	s10 =	sld [smem:$0x3FBB]  }
0x39: {  	_ = 	snop;
	(pc) =	sbr.ind lr, $3  }
0x3a: {  	_ = 	snop  }
0x3b: {  	_ = 	snop  }
0x3c: {  	p2 =	seq.s32 s10, $0x1;
	s10 =	sld [smem:$0x3FBA]  }
0x3d: {  	_ =	shalt  }
0x3e: {  	_ =	shalt  }
0x3f: {  	_ =	shalt  }
0x40: {  	_ =	shalt  }
0x41: {  	_ =	shalt  }
0x42: {  	_ =	shalt  }
0x43: {  	_ =	shalt  }
0x44: {  	_ =	shalt  }
0x45: {  	_ =	shalt  }
0x46: {  	_ =	shalt  }
0x47: {  	_ =	shalt  }
0x48: {  	_ =	shalt  }
0x49: {  	_ =	shalt  }
0x4a: {  	_ =	shalt  }
0x4b: {  	_ =	shalt  }
0x4c: {  	_ =	shalt  }
0x4d: {  	_ =	shalt  }
0x4e: {  	_ =	shalt  }
0x4f: {  	_ =	shalt  }
0x50: {  	_ =	shalt  }
0x51: {  	_ =	shalt  }
0x52: {  	_ =	shalt  }
0x53: {  	_ =	shalt  }
0x54: {  	_ =	shalt  }
0x55: {  	_ =	shalt  }
0x56: {  	_ =	shalt  }
0x57: {  	_ =	shalt  }
0x58: {  	_ =	shalt  }
0x59: {  	_ =	shalt  }
0x5a: {  	_ =	shalt  }
0x5b: {  	_ =	shalt  }
0x5c: {  	_ =	shalt  }
0x5d: {  	_ =	shalt  }
0x5e: {  	_ =	shalt  }
0x5f: {  	_ =	shalt  }
0x60: {  	_ =	shalt  }
0x61: {  	_ =	shalt  }
0x62: {  	_ =	shalt  }
0x63: {  	_ =	shalt  }
0x64: {  	_ =	shalt  }
0x65: {  	_ =	shalt  }
0x66: {  	_ =	shalt  }
0x67: {  	_ =	shalt  }
0x68: {  	_ =	shalt  }
0x69: {  	_ =	shalt  }
0x6a: {  	_ =	shalt  }
0x6b: {  	_ =	shalt  }
0x6c: {  	_ =	shalt  }
0x6d: {  	_ =	shalt  }
0x6e: {  	_ =	shalt  }
0x6f: {  	_ =	shalt  }
0x70: {  	_ =	shalt  }
0x71: {  	_ =	shalt  }
0x72: {  	_ =	shalt  }
0x73: {  	_ =	shalt  }
0x74: {  	_ =	shalt  }
0x75: {  	_ =	shalt  }
0x76: {  	_ =	shalt  }
0x77: {  	_ =	shalt  }
0x78: {  	_ =	shalt  }
0x79: {  	_ =	shalt  }
0x7a: {  	_ =	shalt  }
0x7b: {  	_ =	shalt  }
0x7c: {  	_ =	shalt  }
0x7d: {  	_ =	shalt  }
0x7e: {  	_ =	shalt  }
0x7f: {  	_ =	shalt  }
0x80: {  	_ =	shalt  }
0x81: {  	_ =	shalt  }
0x82: {  	_ =	shalt  }
0x83: {  	_ =	shalt  }
0x84: {  	_ =	shalt  }
0x85: {  	_ =	shalt  }
0x86: {  	_ =	shalt  }
0x87: {  	_ =	shalt  }
.Lfunc_end0:
.L_simem_size_0:
called_computation.1_lowered:
.L_overlay_start_0:
0x88: {  	s2 =	sld [smem:$0x3FD9]  }
0x89: {  	s3 =	sld [smem:$0x3FFE];
	_ =	sdelay $0x1  }
0x8a: {  	s1 =	srdreg.scid  }
0x8b: {  	s0 =	sand.u32 $0x1, s1  }
0x8c: {  	s17 =	sshll.u32 s0, $0xA;
	s2 =	sadd.s32 s3, s2  }
0x8d: {  	s2 =	sadd.s32 s2, s17  }
0x8e: {  	[smem:$0x3FC6] =	sst s2  }
0x8f: {  	_ = 	snop  }
0x90: {  	s2 =	sld [smem:$0x3FD0];
	(tm) =	ssettm $0x1  }
0x91: {  	s18 =	sld [smem:$0x3FFB];
	_ =	sdelay $0x3  }
0x92: {  	_ =	strace s18  }
0x93: {  	s3 =	sld [smem:$0x3FFC];
	_ =	sdelay $0x3  }
0x94: {  	_ =	strace s3  }
0x95: {  	s3 =	sld [smem:$0x3FFD];
	_ =	sdelay $0x3  }
0x96: {  	_ =	strace s3  }
0x97: {  	_ =	strace $0x8FFFFFFF  }
0x98: {  	s19 =	sld [smem:$0x3FDB];
	_ =	sdelay $0x1  }
0x99: {  	s4 =	simm.s32 $_scs_section_size  }
0x9a: {  	s5 =	simm.s32 $_size__tile_overlayer_lowered;
	s6 =	simm.s32 $_tile_overlayer_lowered  }
0x9b: {  	s22 =	simm.s32 $0x1BFF;
	s21 =	sshll.u32 s6, $0x1;
	s3 =	sadd.s32 s4, s19  }
0x9c: {  	s7 =	simm.s32 $0x0;
	s20 =	sshll.u32 s5, $0x1;
	s5 =	sadd.s32 s21, s3  }
0x9d: {  	[timem:s7], [sflag:s22] =	dma.local [hbm:s5], s20  }
0x9e: {  	_ =	swait.ge [sflag:s22], s20  }
0x9f: {  	s4 =	ssub.s32 $0x0, s20;
	[sflag:s22] =	ssyncset.done $0x0  }
0xa0: {  	[sflag:s22] =	ssyncadd.s32 s4;
	_ =	sdelay $0x1  }
0xa1: {  	s23 =	simm.s32 $0x1B8B  }
0xa2: {  	_ =	swait.ge [sflag:s23], $0x1  }
0xa3: {  	[sflag:s23] =	ssyncset.done $0x0  }
0xa4: {  	s25 =	simm.s32 $0x1B8E;
	s24 =	sld [smem:$0x3FFE];
	[sflag:s23] =	ssyncadd.s32 $0xFFFFFFFF  }
0xa5: {  	s26 =	simm.s32 $execute0_lowered;
	[smem:$0x3FD2] =	sst s25  }
0xa6: {  	s5 =	sshll.u32 s26, $0x1;
	_ =	strace $0x80000049;
	[dreg:$0x1] =	wrdreg $0xFFFFFFFF  }
0xa7: {  	s28 =	simm.s32 $_size_execute0_lowered;
	s3 =	sadd.s32 s3, s5;
	[dreg:$0x0] =	wrdreg $0x0  }
0xa8: {  	s5 =	sshll.u32 s28, $0x1;
	[dreg:$0x2] =	wrdreg s3  }
0xa9: {  	[dreg:$0x3] =	wrdreg s5  }
0xaa: {  	[dreg:$0x4] =	wrdreg $0xC0  }
0xab: {  	_ =	task [dreg:s7], $0x5FFFF  }
0xac: {  	[dreg:$0x1] =	wrdreg $0xFFFFFFFF  }
0xad: {  	[dreg:$0x0] =	wrdreg $0x60  }
0xae: {  	[dreg:$0x2] =	wrdreg s2  }
0xaf: {  	[dreg:$0x3] =	wrdreg s24  }
0xb0: {  	[dreg:$0x4] =	wrdreg $0x9  }
0xb1: {  	_ =	task.clear_ibuf [dreg:s7], $0x5FFFF;
	_ =	strace $0x90000049  }
0xb2: {  	s29 =	simm.s32 $0x9;
	_ =	strace $0x8000004B  }
0xb3: {  	_ =	swait.ge [sflag:s29], $0x1  }
0xb4: {  	[sflag:s29] =	ssyncadd.s32 $0xFFFFFFFF  }
0xb5: {  	_ =	strace $0x9000004B  }
0xb6: {  	_ =	sfence  }
0xb7: {  	s30 =	sld [smem:$0x0];
	_ =	sdelay $0x2  }
0xb8: {  	s31 =	sshll.u32 s1, $0xD;
	s1 =	sshrl.u32 s1, $0x2  }
0xb9: {  	s3 =	sand.u32 $0x4000, s31;
	s1 =	sadd.s32 s1, s30  }
0xba: {  	s0 =	sor.u32 s3, s0;
	s1 =	sshll.u32 s1, $0x11  }
0xbb: {  	s0 =	sor.u32 s1, s0  }
0xbc: {  	s0 =	sadd.s32 $0x8F2B, s0  }
0xbd: {  	[sflag:s0] =	ssyncadd.remote.s32 $0x1  }
0xbe: {  	_ =	sfence.sel $0xFFFF  }
0xbf: {  	[dreg:$0x0] =	wrdreg $0xFFFFFFFF;
	(pc) =	sbr.abs _section_cstart, $3  }
0xc0: {  	[dreg:$0x1] =	wrdreg $0xFFFFFFFF  }
0xc1: {  	_ =	task.clear_ibuf [dreg:s7], $0x2FFFF;
	_ =	strace $0x9FFFFFFF  }
0xc2: {  	(tm) =	ssettm $0x7FFFFFFF  }
0xc3: {  	_ =	shalt  }
tec
execute0_lowered:
.L_overlay_start_1:
0x0: {  	(tag) =	ssettag $0x1  }
0x1: {  	s2 =	rddreg [dreg:$0x0];
	s0 =	srdreg.scid  }
0x2: {  	s5 =	rddreg [dreg:$0x1];
	s1 =	stileid.u32;
	s6 =	simm.s32 $0x1  }
0x3: {  	s9 =	simm.s32 $0x1;
	s10 =	simm.s32 $0x3;
	s3 =	sshll.u32 s0, $0xF  }
0x4: {  	s13 =	simm.s32 $0x0;
	s4 =	sshll.u32 s1, $0x10;
	s3 =	sand.u32 $0x8000, s3  }
0x5: {  	s0 =	rddreg [dreg:$0x2];
	_ =	strace $0x8000004A;
	s3 =	sor.u32 s4, s3  }
0x6: {  	s12 =	simm.s32 $0x0;
	[sflag:s6] =	ssyncpa.u1 $0x0;
	s8 =	ssub.s32 $0x800000, s3  }
.Ltmp0:
0x7: {  	s4 =	sadd.s32 $0x114600, s5;
	s7 =	sand.u32 $0xF8000, s8;
	(pc) =	sbr.rel .LBB2_1-.Ltmp0, $4  }
0x8: {  	s5 =	sadd.s32 $0x14600, s5;
	s11 =	smov.u32 s3;
	p0 =	sne.s32 s7, $0x0  }
0x9: {  	s8 =	sshrl.u32 s8, $0x14;
	s7 =	simm.s32 $0x2;
	s9 =	simm.s32 @!p0 $0x0  }
0xa: {  	[sflag:s7] =	ssyncpa.u1 $0x0;
	p0 =	por $0x0, $0x0;
	s8 =	sadd.s32 s9, s8  }
0xb: {  	vm0 =	vmmov $0xffff;
	[sflag:s10] =	ssyncpa.u1 $0x0;
	s10 =	simm.s32 $0x0;
	s9 =	sadd.s32 $0x1, s8  }
.LBB2_4:
0xc: {  	v3 =	vshrl.u32 v0, $0x5;
	v4 =	vshrl.u32 v0, $0xB;
	v1 =	vor.u32 v1, v2  }
0xd: {  	v61 =	vshll.u32 v0, $0x12;
	v59 =	vand.u32 $0x3F, v3;
	v60 =	vand.u32 $0xFFF, v4  }
0xe: {  	v0 =	vand.u32 $0x7C0000, v61;
	v2 =	vsel vm1, $0xFFFFFFFF, v59;
	v3 =	vsel vm1, $0xFFFFFFFF, v60  }
0xf: {  	v0 =	vsel vm1, $0xFFFC0000, v0;
	v62 =	vand.u32 $0x7F, v3;
	v5 =	vshll.u32 v2, $0xC  }
0x10: {  	v3 =	vshll.u32 v3, $0x3;
	v5 =	vand.u32 $0xFFFF8000, v5;
	v0 =	vor.u32 v0, v62  }
0x11: {  	v2 =	vshll.u32 v2, $0x7;
	v3 =	vand.u32 $0xFFFFFC00, v3;
	v0 =	vadd.s32 v5, v0  }
0x12: {  	v2 =	vand.u32 $0x380, v2;
	v0 =	vadd.s32 v3, v0  }
0x13: {  	v0 =	vor.u32 v2, v0;
	_ =	sdelay $0x1  }
0x14: {  	(ifvalue) =	ssetifvalue $0x7FFFFFFF;
	s14 =	sadd.s32 $0x10, s14  }
0x15: {  	[tilespmem:s14], [sflag:$0x1] =	stream.indirect_vreg.gather [hbm4b:s2+s10], $0x1, v1, vm0, $0x4038;
	v63 =	vld [tilespmem:$0x0]  }
0x16: {  	(ifvalue) =	ssetifvalue $0x7FFFFFFF;
	s14 =	sadd.s32 $0x10, s14  }
0x17: {  	[tilespmem:s14], [sflag:$0x1] =	stream.indirect_vreg.gather [hbm4b:s2+s10], $0x1, v0, vm0, $0x4038;
	v63 =	vld [tilespmem:$0x0]  }
0x18: {  	_ =	swait.ge [sflag:s6], $0x8000  }
0x19: {  	s30 =	sshrl.u32 s13, $0x3;
	[sflag:s6] =	ssyncset.done $0x0  }
0x1a: {  	s31 =	sand.u32 $0x7, s13;
	s14 =	sadd.s32 s5, s30;
	[sflag:s6] =	ssyncadd.s32 $0xFFFF8000  }
0x1b: {  	[hbm4b:s14+s31] =	stream.linear.scatter [tilespmem:s15], [sflag:$0x3], $0x8000, $0x38;
	v63 =	vld [tilespmem:$0x0]  }
.LBB2_5:
0x1c: {  	s15 =	sadd.s32 $0x100000, s11  }
0x1d: {  	p2 =	sgt.s32 s15, $0x7FFFFF  }
0x1e: {  	s15 =	smov.u32 @p2 s3;
	p2 =	sne.s32 s12, s9  }
.Ltmp1:
0x1f: {  	p1 =	slt.u32 s12, $0x2;
	(pc) =	sbr.rel @!p2 .LBB2_6-.Ltmp1, $4  }
0x20: {  	s14 =	simm.s32 @!p1 $0x3  }
0x21: {  	s16 =	sadd.s32 $0x1, s12;
	_ =	swait.ge @!p1 [sflag:s14], $0x8000  }
0x22: {  	s13 =	smov.u32 s11;
	p0 =	por !p0, !p0;
	[sflag:s14] =	ssyncset.done @!p1 $0x0  }
0x23: {  	s12 =	smov.u32 s16;
	s11 =	smov.u32 s15;
	[sflag:s14] =	ssyncadd.s32 @!p1 $0xFFFF8000  }
.LBB2_1:
0x24: {  	p1 =	sge.u32 s12, s8  }
0x25: {  	s14 =	sxor.u32 @!p1 $0xFFFFFFFF, s12  }
0x26: {  	s31 =	sadd.s32 $0xFFFFFFFF, s12;
	s15 =	sshrl.u32 @!p1 s11, $0x3;
	s14 =	sshll.u32 @!p1 s14, $0xF  }
0x27: {  	s16 =	sand.u32 @!p1 $0x7, s11;
	s15 =	sadd.s32 @!p1 s4, s15;
	s14 =	sand.u32 @!p1 $0x8000, s14  }
0x28: {  	[tilespmem:s14], [sflag:$0x2] =	stream.linear.gather @!p1 [hbm4b:s15+s16], $0x8000, $0x38;
	v63 =	vld [tilespmem:$0x0]  }
0x29: {  	p1 =	sge.u32 s31, s8  }
.Ltmp2:
0x2a: {  	_ = 	snop;
	(pc) =	sbr.rel @p1 .LBB2_5-.Ltmp2, $1  }
0x2b: {  	_ =	sdelay $0x3  }
0x2c: {  	s14 =	simm.s32 $0x1  }
0x2d: {  	_ =	swait.ge [sflag:s7], $0x8000;
	s14 =	simm.s32 @!p0 $0x0  }
0x2e: {  	[sflag:s7] =	ssyncset.done $0x0;
	s14 =	sshll.u32 s14, $0xF  }
0x2f: {  	[sflag:s7] =	ssyncadd.s32 $0xFFFF8000;
	(ifvalue) =	ssetifvalue $0x7FFFFFFF;
	v0 =	vld.msk [tilespmem:s14+$0x0 ss:$0x1], $0xffff;
	_ =	sdelay $0x4  }
0x30: {  	s15 =	sadd.s32 $0x10, s14;
	vm1 =	veq.s32 v0, $0x80000000;
	v1 =	vshrl.u32 v0, $0x5;
	v2 =	vshrl.u32 v0, $0xB  }
0x31: {  	v3 =	vld.msk [tilespmem:s15+$0x0 ss:$0x1], $0xffff;
	v0 =	vshll.u32 v0, $0x12;
	v1 =	vand.u32 $0x3F, v1;
	v2 =	vand.u32 $0xFFF, v2  }
0x32: {  	v0 =	vand.u32 $0x7C0000, v0;
	v1 =	vsel vm1, $0xFFFFFFFF, v1;
	v2 =	vsel vm1, $0xFFFFFFFF, v2  }
0x33: {  	v0 =	vsel vm1, $0xFFFC0000, v0;
	v4 =	vand.u32 $0x7F, v2;
	v5 =	vshll.u32 v1, $0xC  }
0x34: {  	v2 =	vshll.u32 v2, $0x3;
	v5 =	vand.u32 $0xFFFF8000, v5;
	v0 =	vor.u32 v0, v4  }
0x35: {  	v1 =	vshll.u32 v1, $0x7;
	v2 =	vand.u32 $0xFFFFFC00, v2;
	v0 =	vadd.s32 v5, v0  }
0x36: {  	v61 =	vshrl.u32 v3, $0xB;
	v1 =	vand.u32 $0x380, v1;
	v0 =	vadd.s32 v2, v0  }
0x37: {  	s17 =	sadd.s32 $0x10, s15;
	vm1 =	veq.s32 v3, $0x80000000;
	v2 =	vshrl.u32 v3, $0x5;
	v1 =	vor.u32 v1, v0  }
0x38: {  	v4 =	vand.u32 $0xFFF, v61;
	v3 =	vshll.u32 v3, $0x12;
	v0 =	vld.msk [tilespmem:s17+$0x0 ss:$0x1], $0xffff;
	v2 =	vand.u32 $0x3F, v2  }
0x39: {  	v4 =	vsel vm1, $0xFFFFFFFF, v4;
	v3 =	vand.u32 $0x7C0000, v3;
	v2 =	vsel vm1, $0xFFFFFFFF, v2  }
0x3a: {  	s31 =	sshll.u32 s12, $0xF;
	v62 =	vand.u32 $0x7F, v4;
	v3 =	vsel vm1, $0xFFFC0000, v3;
	v6 =	vshll.u32 v2, $0xC  }
0x3b: {  	s14 =	sor.u32 $0x10000, s14;
	s15 =	sand.u32 $0x8000, s31;
	v4 =	vshll.u32 v4, $0x3;
	(ifvalue) =	ssetifvalue $0x7FFFFFFF;
	v3 =	vor.u32 v3, v62;
	v6 =	vand.u32 $0xFFFF8000, v6  }
0x3c: {  	v4 =	vand.u32 $0xFFFFFC00, v4;
	[tilespmem:s14], [sflag:$0x1] =	stream.indirect_vreg.gather [hbm4b:s2+s10], $0x1, v1, vm0, $0x4038;
	v1 =	vshll.u32 v2, $0x7;
	v2 =	vadd.s32 v6, v3;
	v63 =	vld [tilespmem:$0x0]  }
0x3d: {  	s16 =	simm.s32 $0x20;
	s15 =	sor.u32 $0x10000, s15;
	s17 =	sadd.s32 $0x10, s17;
	vm1 =	veq.s32 v0, $0x80000000;
	v1 =	vand.u32 $0x380, v1;
	v2 =	vadd.s32 v4, v2  }
.LBB2_3:
0x3e: {  	v3 =	vld.msk [tilespmem:s17+$0x0 ss:$0x1], $0xffff;
	v4 =	vshrl.u32 v0, $0x5;
	v5 =	vshrl.u32 v0, $0xB;
	v1 =	vor.u32 v1, v2;
	s16 =	sadd.s32 $0x10, s16  }
0x3f: {  	v0 =	vshll.u32 v0, $0x12;
	v2 =	vand.u32 $0x3F, v4;
	v4 =	vand.u32 $0xFFF, v5;
	p1 =	slt.u32 s16, $0x7FF0  }
.Ltmp3:
0x40: {  	v0 =	vand.u32 $0x7C0000, v0;
	v2 =	vsel vm1, $0xFFFFFFFF, v2;
	v4 =	vsel vm1, $0xFFFFFFFF, v4;
	(pc) =	sbr.rel @p1 .LBB2_3-.Ltmp3, $4  }
0x41: {  	v0 =	vsel vm1, $0xFFFC0000, v0;
	v5 =	vand.u32 $0x7F, v4;
	v6 =	vshll.u32 v2, $0xC  }
0x42: {  	s14 =	sadd.s32 $0x10, s14;
	v4 =	vshll.u32 v4, $0x3;
	v6 =	vand.u32 $0xFFFF8000, v6;
	v7 =	vor.u32 v0, v5;
	(ifvalue) =	ssetifvalue $0x7FFFFFFF  }
0x43: {  	v2 =	vshll.u32 v2, $0x7;
	v4 =	vand.u32 $0xFFFFFC00, v4;
	v5 =	vadd.s32 v6, v7;
	[tilespmem:s14], [sflag:$0x1] =	stream.indirect_vreg.gather [hbm4b:s2+s10], $0x1, v1, vm0, $0x4038;
	v63 =	vld [tilespmem:$0x0]  }
0x44: {  	s17 =	sadd.s32 $0x10, s17;
	vm1 =	veq.s32 v3, $0x80000000;
	v1 =	vand.u32 $0x380, v2;
	v0 =	vmovc v3;
	v2 =	vadd.s32 v4, v5  }
.Ltmp4:
0x45: {  	_ = 	snop;
	(pc) =	sbr.rel .LBB2_4-.Ltmp4, $1  }
0x46: {  	_ =	sdelay $0x3  }
.LBB2_6:
0x47: {  	_ =	sfence.sel $0x180000  }
0x48: {  	s2 =	simm.s32 $0x2;
	[bflag:$0x0] =	sbarrier.arrive $0xFFFF  }
0x49: {  	s30 =	simm.s32 $0x3;
	[sflag:s2] =	ssyncpa.u1 $0x1  }
0x4a: {  	s31 =	simm.s32 $0x1;
	[sflag:s30] =	ssyncpa.u1 $0x1  }
0x4b: {  	[sflag:s31] =	ssyncpa.u1 $0x1  }
0x4c: {  	p0 =	sne.s32 s1, $0x0;
	_ =	strace $0x9000004A  }
0x4d: {  	s0 =	sadd.s32 @!p0 $0x100000, s0;
	[bflag:$0x2] =	sbarrier.arrive $0xFFFF  }
0x4e: {  	[sflag:s0] =	ssyncadd.tile.s32 @!p0 $0x1;
	_ =	shalt  }
.Lfunc_end2:
_tile_overlayer_lowered:
.L_overlay_start_2:
0x4f: {  	(tag) =	ssettag $0x2  }
0x50: {  	s0 =	rddreg [dreg:$0x0];
	s2 =	stileid.u32  }
0x51: {  	s1 =	rddreg [dreg:$0x1];
	p0 =	sne.s32 s2, $0x0  }
0x52: {  	s3 =	rddreg [dreg:$0x2];
	[bflag:$0x3] =	sbarrier.arrive $0xFFFF;
	s2 =	simm.s32 @!p0 $0x1C01  }
0x53: {  	[timem:s3], [sflag:s2] =	dma.local @!p0 [hbm:s0], s1  }
0x54: {  	s0 =	simm.s32 @!p0 $0x1  }
0x55: {  	_ =	swait.ge @!p0 [sflag:s0], s1  }
0x56: {  	s1 =	ssub.s32 @!p0 $0x0, s1;
	[sflag:s0] =	ssyncset.done @!p0 $0x0  }
0x57: {  	[sflag:s0] =	ssyncadd.s32 @!p0 s1  }
0x58: {  	[bflag:$0x3] =	sbarrier.arrive $0xFFFF  }
0x59: {  	_ =	shalt  }

// kernel: kernel.3.cloned.1.call-start
scs
__scs_entry_jumppad:
0x0: {  	(pc) =	sbr.rel $0x88, $3  }
0x1: {  	(tag) =	ssettag $0x0;
	lr =	simm.s32 $0x1  }
0x2: {  	[smem:$0x3F9F] =	sst lr;
	_ =	strace $0xD0000000  }
0x3: {  	_ = 	snop  }
0x4: {  	_ = 	snop  }
0x5: {  	_ = 	snop  }
0x6: {  	_ = 	snop  }
0x7: {  	_ = 	snop  }
__scs_overlays_trampoline_lowered:
0x8: {  	[smem:$0x3FAE] =	sst s0  }
0x9: {  	[smem:$0x3FAF] =	sst s1  }
0xa: {  	[smem:$0x3FB0] =	sst s2  }
0xb: {  	[smem:$0x3FB1] =	sst s3  }
0xc: {  	[smem:$0x3FB2] =	sst s4  }
0xd: {  	[smem:$0x3FB3] =	sst s5  }
0xe: {  	[smem:$0x3FB4] =	sst s6  }
0xf: {  	[smem:$0x3FB5] =	sst s7  }
0x10: {  	[smem:$0x3FB6] =	sst s8  }
0x11: {  	[smem:$0x3FB7] =	sst s9;
	s0 =	simm.s32 @!p0 $0x0  }
0x12: {  	s1 =	sld [smem:$0x3F9D];
	s0 =	simm.s32 @p0 $0x1  }
0x13: {  	[smem:$0x3FB8] =	sst s0;
	s0 =	simm.s32 @!p1 $0x0  }
0x14: {  	s2 =	sld [smem:$0x3F9C];
	s0 =	simm.s32 @p1 $0x1  }
0x15: {  	[smem:$0x3FB9] =	sst s0;
	s0 =	simm.s32 @!p2 $0x0  }
0x16: {  	s3 =	sld [smem:$0x3FDB];
	s0 =	simm.s32 @p2 $0x1  }
0x17: {  	s4 =	simm.s32 $0x1BF5;
	[smem:$0x3FBB] =	sst s0  }
0x18: {  	s0 =	sld [smem:$0x3F9E];
	_ =	swait.ge [sflag:s4], $0x0  }
0x19: {  	s7 =	sld [smem:$0x3F9F]  }
0x1a: {  	s8 =	sadd.s32 $0xFFFFE003, lr  }
0x1b: {  	s9 =	sadd.s32 $0xFFFFFEF7, lr;
	s5 =	simm.s32 $0xFFFFFFFF;
	p2 =	slt.u32 s8, $0xFFFFF086  }
0x1c: {  	p1 =	slt.u32 s9, $0xF7A;
	s5 =	simm.s32 @!p2 $0x0  }
0x1d: {  	s5 =	simm.s32 @p1 $0x1;
	p0 =	seq.s32 s7, s2  }
0x1e: {  	s7 =	smul.u32 @!p0 $0xF7A, s2;
	p2 =	seq.s32 @!p0 s5, $0x0  }
0x1f: {  	s9 =	smul.u32 $0xF7A, s1;
	s8 =	simm.s32 @!p0 $0x1BF5;
	p2 =	por !p2, p0  }
0x20: {  	[sflag:s8] =	ssyncset.s32 @!p0 $0xFFFFF086;
	s6 =	sadd.s32 @!p0 s3, s7;
	s7 =	simm.s32 @!p0 $0x108  }
0x21: {  	s3 =	sadd.s32 s3, s9;
	s6 =	sadd.s32 @!p0 $0x88, s6;
	s7 =	simm.s32 @p2 $0x1082  }
0x22: {  	[simem:s7], [sflag:s8] =	dma.local @!p0 [hbm:s6], $0xF7A  }
0x23: {  	s9 =	sor.u32 $0xD0000000, s2;
	s6 =	simm.s32 $0x108;
	_ =	swait.ge @!p0 [sflag:s8], $0x0  }
0x24: {  	s3 =	sadd.s32 $0x88, s3;
	s6 =	simm.s32 @!p1 $0x1082;
	[sflag:s4] =	ssyncset.s32 $0xFFFFF086  }
0x25: {  	[simem:s6], [sflag:s4] =	dma.local [hbm:s3], $0xF7A  }
0x26: {  	[smem:$0x3F9F] =	sst s1;
	(tag) =	ssettag s2;
	_ =	strace s9  }
0x27: {  	s1 =	sld [smem:$0x3FAF]  }
0x28: {  	s2 =	sld [smem:$0x3FB0]  }
0x29: {  	s4 =	sld [smem:$0x3FB2]  }
0x2a: {  	p0 =	seq.s32 s5, $0x0;
	s5 =	sld [smem:$0x3FB3]  }
0x2b: {  	s6 =	sld [smem:$0x3FB4]  }
0x2c: {  	s7 =	sld [smem:$0x3FB5]  }
0x2d: {  	s3 =	simm.s32 $0x108;
	s8 =	sld [smem:$0x3FB6]  }
0x2e: {  	s3 =	simm.s32 @!p0 $0x1082;
	s9 =	sld [smem:$0x3FB7]  }
0x2f: {  	lr =	sadd.s32 s0, s3;
	s0 =	sld [smem:$0x3FAE]  }
0x30: {  	s3 =	sld [smem:$0x3FB1]  }
0x31: {  	[smem:$0x3FBA] =	sst s10  }
0x32: {  	s10 =	sld [smem:$0x3FB8];
	_ =	sdelay $0x3  }
0x33: {  	p0 =	seq.s32 s10, $0x1;
	s10 =	sld [smem:$0x3FBA];
	_ =	sdelay $0x3  }
0x34: {  	[smem:$0x3FBA] =	sst s10  }
0x35: {  	s10 =	sld [smem:$0x3FB9];
	_ =	sdelay $0x3  }
0x36: {  	p1 =	seq.s32 s10, $0x1;
	s10 =	sld [smem:$0x3FBA];
	_ =	sdelay $0x3  }
0x37: {  	[smem:$0x3FBA] =	sst s10  }
0x38: {  	s10 =	sld [smem:$0x3FBB]  }
0x39: {  	_ = 	snop;
	(pc) =	sbr.ind lr, $3  }
0x3a: {  	_ = 	snop  }
0x3b: {  	_ = 	snop  }
0x3c: {  	p2 =	seq.s32 s10, $0x1;
	s10 =	sld [smem:$0x3FBA]  }
0x3d: {  	_ =	shalt  }
0x3e: {  	_ =	shalt  }
0x3f: {  	_ =	shalt  }
0x40: {  	_ =	shalt  }
0x41: {  	_ =	shalt  }
0x42: {  	_ =	shalt  }
0x43: {  	_ =	shalt  }
0x44: {  	_ =	shalt  }
0x45: {  	_ =	shalt  }
0x46: {  	_ =	shalt  }
0x47: {  	_ =	shalt  }
0x48: {  	_ =	shalt  }
0x49: {  	_ =	shalt  }
0x4a: {  	_ =	shalt  }
0x4b: {  	_ =	shalt  }
0x4c: {  	_ =	shalt  }
0x4d: {  	_ =	shalt  }
0x4e: {  	_ =	shalt  }
0x4f: {  	_ =	shalt  }
0x50: {  	_ =	shalt  }
0x51: {  	_ =	shalt  }
0x52: {  	_ =	shalt  }
0x53: {  	_ =	shalt  }
0x54: {  	_ =	shalt  }
0x55: {  	_ =	shalt  }
0x56: {  	_ =	shalt  }
0x57: {  	_ =	shalt  }
0x58: {  	_ =	shalt  }
0x59: {  	_ =	shalt  }
0x5a: {  	_ =	shalt  }
0x5b: {  	_ =	shalt  }
0x5c: {  	_ =	shalt  }
0x5d: {  	_ =	shalt  }
0x5e: {  	_ =	shalt  }
0x5f: {  	_ =	shalt  }
0x60: {  	_ =	shalt  }
0x61: {  	_ =	shalt  }
0x62: {  	_ =	shalt  }
0x63: {  	_ =	shalt  }
0x64: {  	_ =	shalt  }
0x65: {  	_ =	shalt  }
0x66: {  	_ =	shalt  }
0x67: {  	_ =	shalt  }
0x68: {  	_ =	shalt  }
0x69: {  	_ =	shalt  }
0x6a: {  	_ =	shalt  }
0x6b: {  	_ =	shalt  }
0x6c: {  	_ =	shalt  }
0x6d: {  	_ =	shalt  }
0x6e: {  	_ =	shalt  }
0x6f: {  	_ =	shalt  }
0x70: {  	_ =	shalt  }
0x71: {  	_ =	shalt  }
0x72: {  	_ =	shalt  }
0x73: {  	_ =	shalt  }
0x74: {  	_ =	shalt  }
0x75: {  	_ =	shalt  }
0x76: {  	_ =	shalt  }
0x77: {  	_ =	shalt  }
0x78: {  	_ =	shalt  }
0x79: {  	_ =	shalt  }
0x7a: {  	_ =	shalt  }
0x7b: {  	_ =	shalt  }
0x7c: {  	_ =	shalt  }
0x7d: {  	_ =	shalt  }
0x7e: {  	_ =	shalt  }
0x7f: {  	_ =	shalt  }
0x80: {  	_ =	shalt  }
0x81: {  	_ =	shalt  }
0x82: {  	_ =	shalt  }
0x83: {  	_ =	shalt  }
0x84: {  	_ =	shalt  }
0x85: {  	_ =	shalt  }
0x86: {  	_ =	shalt  }
0x87: {  	_ =	shalt  }
.Lfunc_end0:
.L_simem_size_0:
called_computation.2_lowered:
.L_overlay_start_0:
0x88: {  	s2 =	sld [smem:$0x3FD9]  }
0x89: {  	s3 =	sld [smem:$0x3FFE];
	_ =	sdelay $0x1  }
0x8a: {  	s1 =	srdreg.scid  }
0x8b: {  	s0 =	sand.u32 $0x1, s1  }
0x8c: {  	s17 =	sshll.u32 s0, $0xA;
	s2 =	sadd.s32 s3, s2  }
0x8d: {  	s2 =	sadd.s32 s2, s17  }
0x8e: {  	[smem:$0x3FC6] =	sst s2  }
0x8f: {  	_ = 	snop  }
0x90: {  	s2 =	sld [smem:$0x3FC9]  }
0x91: {  	s18 =	sld [smem:$0x3FD0];
	(tm) =	ssettm $0x1  }
0x92: {  	s4 =	sld [smem:$0x3FFB];
	_ =	sdelay $0x3  }
0x93: {  	_ =	strace s4  }
0x94: {  	s4 =	sld [smem:$0x3FFC];
	_ =	sdelay $0x3  }
0x95: {  	_ =	strace s4  }
0x96: {  	s4 =	sld [smem:$0x3FFD];
	_ =	sdelay $0x3  }
0x97: {  	_ =	strace s4  }
0x98: {  	_ =	strace $0x8FFFFFFF  }
0x99: {  	s19 =	sld [smem:$0x3FDB];
	_ =	sdelay $0x1  }
0x9a: {  	s5 =	simm.s32 $_scs_section_size  }
0x9b: {  	s6 =	simm.s32 $_size__tile_overlayer_lowered;
	s7 =	simm.s32 $_tile_overlayer_lowered  }
0x9c: {  	s22 =	simm.s32 $0x1BFF;
	s21 =	sshll.u32 s7, $0x1;
	s4 =	sadd.s32 s5, s19  }
0x9d: {  	s8 =	simm.s32 $0x0;
	s20 =	sshll.u32 s6, $0x1;
	s6 =	sadd.s32 s21, s4  }
0x9e: {  	[timem:s8], [sflag:s22] =	dma.local [hbm:s6], s20  }
0x9f: {  	_ =	swait.ge [sflag:s22], s20  }
0xa0: {  	s5 =	ssub.s32 $0x0, s20;
	[sflag:s22] =	ssyncset.done $0x0  }
0xa1: {  	[sflag:s22] =	ssyncadd.s32 s5;
	_ =	sdelay $0x1  }
0xa2: {  	s23 =	simm.s32 $0x1B8B  }
0xa3: {  	_ =	swait.ge [sflag:s23], $0x1  }
0xa4: {  	[sflag:s23] =	ssyncset.done $0x0  }
0xa5: {  	s25 =	simm.s32 $0x1B8E;
	s24 =	sld [smem:$0x3FFE];
	[sflag:s23] =	ssyncadd.s32 $0xFFFFFFFF  }
0xa6: {  	s26 =	simm.s32 $execute0_lowered;
	[smem:$0x3FD2] =	sst s25  }
0xa7: {  	s6 =	sshll.u32 s26, $0x1;
	_ =	strace $0x8000004C;
	[dreg:$0x1] =	wrdreg $0xFFFFFFFF  }
0xa8: {  	s28 =	simm.s32 $_size_execute0_lowered;
	s4 =	sadd.s32 s4, s6;
	[dreg:$0x0] =	wrdreg $0x0  }
0xa9: {  	s6 =	sshll.u32 s28, $0x1;
	[dreg:$0x2] =	wrdreg s4  }
0xaa: {  	[dreg:$0x3] =	wrdreg s6  }
0xab: {  	[dreg:$0x4] =	wrdreg $0xC0  }
0xac: {  	_ =	task [dreg:s8], $0x5FFFF  }
0xad: {  	[dreg:$0x1] =	wrdreg $0xFFFFFFFF  }
0xae: {  	[dreg:$0x0] =	wrdreg $0x60  }
0xaf: {  	[dreg:$0x2] =	wrdreg s2  }
0xb0: {  	[dreg:$0x3] =	wrdreg s24  }
0xb1: {  	[dreg:$0x4] =	wrdreg s18  }
0xb2: {  	[dreg:$0x5] =	wrdreg $0x9  }
0xb3: {  	_ =	task.clear_ibuf [dreg:s8], $0x6FFFF;
	_ =	strace $0x9000004C  }
0xb4: {  	s29 =	simm.s32 $0x9;
	_ =	strace $0x8000004E  }
0xb5: {  	_ =	swait.ge [sflag:s29], $0x1  }
0xb6: {  	[sflag:s29] =	ssyncadd.s32 $0xFFFFFFFF  }
0xb7: {  	_ =	strace $0x9000004E  }
0xb8: {  	_ =	sfence  }
0xb9: {  	s30 =	sld [smem:$0x0];
	_ =	sdelay $0x2  }
0xba: {  	s31 =	sshll.u32 s1, $0xD;
	s1 =	sshrl.u32 s1, $0x2  }
0xbb: {  	s3 =	sand.u32 $0x4000, s31;
	s1 =	sadd.s32 s1, s30  }
0xbc: {  	s0 =	sor.u32 s3, s0;
	s1 =	sshll.u32 s1, $0x11  }
0xbd: {  	s0 =	sor.u32 s1, s0  }
0xbe: {  	s0 =	sadd.s32 $0x8F2B, s0  }
0xbf: {  	[sflag:s0] =	ssyncadd.remote.s32 $0x1  }
0xc0: {  	_ =	sfence.sel $0xFFFF  }
0xc1: {  	[dreg:$0x0] =	wrdreg $0xFFFFFFFF;
	(pc) =	sbr.abs _section_cstart, $3  }
0xc2: {  	[dreg:$0x1] =	wrdreg $0xFFFFFFFF  }
0xc3: {  	_ =	task.clear_ibuf [dreg:s8], $0x2FFFF;
	_ =	strace $0x9FFFFFFF  }
0xc4: {  	(tm) =	ssettm $0x7FFFFFFF  }
0xc5: {  	_ =	shalt  }
tec
execute0_lowered:
.L_overlay_start_1:
0x0: {  	(tag) =	ssettag $0x1  }
0x1: {  	s1 =	rddreg [dreg:$0x0]  }
0x2: {  	s6 =	rddreg [dreg:$0x1];
	s2 =	srdreg.scid  }
0x3: {  	s0 =	stileid.u32;
	s3 =	rddreg [dreg:$0x2];
	s4 =	simm.s32 $0x0  }
0x4: {  	s13 =	simm.s32 $0x400;
	s14 =	simm.s32 $0x1;
	s15 =	simm.s32 $0x1000  }
0x5: {  	s16 =	simm.s32 $0x2000;
	s17 =	simm.s32 $0x4000;
	s18 =	simm.s32 $0x6000  }
0x6: {  	s19 =	simm.s32 $0x7000;
	s20 =	simm.s32 $0x8000;
	s21 =	simm.s32 $0x0  }
0x7: {  	s7 =	sand.u32 $0x1, s2;
	s5 =	sshll.u32 s0, $0x1;
	s2 =	rddreg [dreg:$0x3]  }
0x8: {  	[smem:$0x7FF] =	sst s4;
	s31 =	sshll.u32 s0, $0xA;
	s10 =	sor.u32 s7, s5  }
0x9: {  	_ =	strace $0x8000004D;
	s5 =	sadd.s32 $0xF600, s6;
	s8 =	sshll.u32 s10, $0x4  }
0xa: {  	s11 =	ssub.s32 $0x2, s7;
	s9 =	sshll.u32 s10, $0xA;
	s8 =	sor.u32 s31, s8  }
0xb: {  	s12 =	sshrl.u32 s11, $0x1;
	s10 =	sshll.u32 s10, $0xF;
	s8 =	sand.u32 $0x3070, s8  }
0xc: {  	s9 =	sadd.s32 s9, s6;
	s11 =	ssub.s32 s11, s12;
	s8 =	sadd.s32 s8, s6  }
0xd: {  	s12 =	simm.s32 $0x80;
	s6 =	sadd.s32 $0x3600, s8;
	s7 =	sadd.s32 $0xB600, s8  }
0xe: {  	s11 =	smax.u32 s11, $0x1;
	s8 =	sadd.s32 $0x117600, s9;
	s9 =	sadd.s32 $0x10F600, s9  }
.LBB2_1:
0xf: {  	[tilespmem:s4], [sflag:$0x1] =	stream.strided.gather [hbm4b:s6+s12], $0x1000, s13, s12, $0x38;
	[tilespmem:$0x9000] =	vst v63  }
0x10: {  	_ =	swait.ge [sflag:s14], $0x1000  }
0x11: {  	[sflag:s14] =	ssyncset.done $0x0  }
0x12: {  	[sflag:s14] =	ssyncadd.s32 $0xFFFFF000  }
0x13: {  	[tilespmem:s15], [sflag:$0x1] =	stream.strided.gather [hbm4b:s7+s12], $0x1000, s13, s12, $0x38;
	[tilespmem:$0x9000] =	vst v63  }
0x14: {  	_ =	swait.ge [sflag:s14], $0x1000  }
0x15: {  	[sflag:s14] =	ssyncset.done $0x0  }
0x16: {  	[sflag:s14] =	ssyncadd.s32 $0xFFFFF000  }
0x17: {  	[tilespmem:s16], [sflag:$0x1] =	stream.linear.gather [hbm4b:s8+s4], $0x2000, $0x38;
	[tilespmem:$0x9000] =	vst v63  }
0x18: {  	_ =	swait.ge [sflag:s14], $0x2000  }
0x19: {  	[sflag:s14] =	ssyncset.done $0x0  }
0x1a: {  	[sflag:s14] =	ssyncadd.s32 $0xFFFFE000  }
0x1b: {  	[tilespmem:s17], [sflag:$0x1] =	stream.linear.gather [hbm4b:s9+s4], $0x2000, $0x38;
	[tilespmem:$0x9000] =	vst v63  }
0x1c: {  	_ =	swait.ge [sflag:s14], $0x2000  }
0x1d: {  	[sflag:s14] =	ssyncset.done $0x0  }
0x1e: {  	s22 =	simm.s32 $0x0;
	[sflag:s14] =	ssyncadd.s32 $0xFFFFE000  }
.LBB2_2:
0x1f: {  	s23 =	sshll.u32 s22, $0x9  }
0x20: {  	s24 =	sshll.u32 s22, $0x4;
	s23 =	sand.u32 $0x7000, s23  }
0x21: {  	s24 =	sand.u32 $0x70, s24;
	s23 =	sor.u32 s10, s23  }
0x22: {  	s23 =	sor.u32 s24, s23  }
0x23: {  	s24 =	sadd.s32 s1, s23  }
0x24: {  	[tilespmem:s18], [sflag:$0x1] =	stream.strided.gather [hbm4b:s24+s12], $0x1000, s13, s12, $0x38;
	[tilespmem:$0x9000] =	vst v63  }
0x25: {  	_ =	swait.ge [sflag:s14], $0x1000  }
0x26: {  	[sflag:s14] =	ssyncset.done $0x0  }
0x27: {  	s31 =	sadd.s32 s5, s23;
	[sflag:s14] =	ssyncadd.s32 $0xFFFFF000  }
0x28: {  	[tilespmem:s19], [sflag:$0x1] =	stream.strided.gather [hbm4b:s31+s12], $0x1000, s13, s12, $0x38;
	[tilespmem:$0x9000] =	vst v63  }
0x29: {  	_ =	swait.ge [sflag:s14], $0x1000  }
0x2a: {  	[sflag:s14] =	ssyncset.done $0x0  }
0x2b: {  	s24 =	simm.s32 $0x0;
	[sflag:s14] =	ssyncadd.s32 $0xFFFFF000  }
0x2c: {  	v0 =	vld [tilespmem:s24+$0x0];
	_ =	sdelay $0x1  }
0x2d: {  	s25 =	sshll.u32 s22, $0x7  }
0x2e: {  	v1 =	vld [tilespmem:s25+$0x2000];
	_ =	sdelay $0x1  }
0x2f: {  	v3 =	vld [tilespmem:s25+$0x4000];
	_ =	sdelay $0x1  }
0x30: {  	v2 =	vld [tilespmem:s24+$0x1000]  }
0x31: {  	v4 =	vsub.f32 $1.000000000e+00, v1;
	v1 =	vld.idx.msk [tilespmem:v0+s18+$0x0], $0xffff;
	_ =	sdelay $0x1  }
0x32: {  	v0 =	vmul.f32 v3, v4;
	v3 =	vld [tilespmem:s24+$0x7000]  }
0x33: {  	s26 =	simm.s32 $0x80;
	s25 =	simm.s32 $0x10  }
.LBB2_3:
0x34: {  	p0 =	sne.s32 s26, $0x3FC0;
	v4 =	vld [tilespmem:s25+$0x0]  }
0x35: {  	v1 =	vmul.f32 v2, v1;
	_ =	sdelay $0x1  }
0x36: {  	v1 =	vadd.f32 v3, v1;
	_ =	sdelay $0x1  }
0x37: {  	v1 =	vmul.f32 v1, v0;
	_ =	sdelay $0x1  }
0x38: {  	[tilespmem:s24+$0x8000] =	vst v1;
	s24 =	smov.u32 s25  }
.Ltmp0:
0x39: {  	v1 =	vld.idx.msk [tilespmem:v4+s18+$0x0], $0xffff;
	(pc) =	sbr.rel @p0 .LBB2_3-.Ltmp0, $3  }
0x3a: {  	v2 =	vld [tilespmem:s24+$0x1000];
	_ =	sdelay $0x1  }
0x3b: {  	v3 =	vld [tilespmem:s24+$0x7000]  }
0x3c: {  	s25 =	sshra.s32 s26, $0x2;
	s26 =	sadd.s32 $0x40, s26  }
0x3d: {  	v4 =	vld [tilespmem:s25+$0x0]  }
0x3e: {  	v1 =	vmul.f32 v2, v1;
	_ =	sdelay $0x1  }
0x3f: {  	v1 =	vadd.f32 v3, v1;
	_ =	sdelay $0x1  }
0x40: {  	v1 =	vmul.f32 v1, v0;
	_ =	sdelay $0x1  }
0x41: {  	[tilespmem:s24+$0x8000] =	vst v1  }
0x42: {  	v1 =	vld.idx.msk [tilespmem:v4+s18+$0x0], $0xffff  }
0x43: {  	v61 =	vld [tilespmem:s25+$0x1000];
	_ =	sdelay $0x1  }
0x44: {  	v62 =	vld [tilespmem:s25+$0x7000];
	_ =	sdelay $0x2  }
0x45: {  	v1 =	vmul.f32 v61, v1;
	_ =	sdelay $0x1  }
0x46: {  	v1 =	vadd.f32 v62, v1;
	_ =	sdelay $0x1  }
0x47: {  	s22 =	sadd.s32 $0x1, s22;
	v63 =	vmul.f32 v1, v0  }
0x48: {  	p0 =	sne.s32 s22, $0x40  }
.Ltmp1:
0x49: {  	s23 =	sadd.s32 s3, s23;
	[tilespmem:s25+$0x8000] =	vst v63;
	(pc) =	sbr.rel @p0 .LBB2_2-.Ltmp1, $4  }
0x4a: {  	[hbm4b:s23+s12] =	stream.strided.scatter [tilespmem:s20], [sflag:$0x1], $0x1000, s13, s12, $0x38;
	[tilespmem:$0x9000] =	vst v63  }
0x4b: {  	_ =	swait.ge [sflag:s14], $0x1000  }
0x4c: {  	[sflag:s14] =	ssyncset.done $0x0  }
0x4d: {  	[sflag:s14] =	ssyncadd.s32 $0xFFFFF000  }
0x4e: {  	s21 =	sadd.s32 $0x1, s21  }
0x4f: {  	p0 =	sne.s32 s21, s11  }
.Ltmp2:
0x50: {  	_ = 	snop;
	(pc) =	sbr.rel @p0 .LBB2_1-.Ltmp2, $1  }
0x51: {  	_ =	sdelay $0x3  }
0x52: {  	_ =	sfence.sel $0x180000  }
0x53: {  	[bflag:$0x0] =	sbarrier.arrive $0xFFFF  }
0x54: {  	p0 =	sne.s32 s0, $0x0;
	_ =	strace $0x9000004D  }
0x55: {  	s0 =	sadd.s32 @!p0 $0x100000, s2;
	[bflag:$0x2] =	sbarrier.arrive $0xFFFF  }
0x56: {  	[sflag:s0] =	ssyncadd.tile.s32 @!p0 $0x1;
	_ =	shalt  }
.Lfunc_end2:
_tile_overlayer_lowered:
.L_overlay_start_2:
0x57: {  	(tag) =	ssettag $0x2  }
0x58: {  	s0 =	rddreg [dreg:$0x0];
	s2 =	stileid.u32  }
0x59: {  	s1 =	rddreg [dreg:$0x1];
	p0 =	sne.s32 s2, $0x0  }
0x5a: {  	s3 =	rddreg [dreg:$0x2];
	[bflag:$0x3] =	sbarrier.arrive $0xFFFF;
	s2 =	simm.s32 @!p0 $0x1C01  }
0x5b: {  	[timem:s3], [sflag:s2] =	dma.local @!p0 [hbm:s0], s1  }
0x5c: {  	s0 =	simm.s32 @!p0 $0x1  }
0x5d: {  	_ =	swait.ge @!p0 [sflag:s0], s1  }
0x5e: {  	s1 =	ssub.s32 @!p0 $0x0, s1;
	[sflag:s0] =	ssyncset.done @!p0 $0x0  }
0x5f: {  	[sflag:s0] =	ssyncadd.s32 @!p0 s1  }
0x60: {  	[bflag:$0x3] =	sbarrier.arrive $0xFFFF  }
0x61: {  	_ =	shalt  }

// kernel: sparse-core-data-format-call.cloned.1.call-start
scs
called_computation_lowered:
.L_overlay_start_0:
0x0: {  	s1 =	sld [smem:$0x3FD9]  }
0x1: {  	s2 =	sld [smem:$0x3FFE];
	_ =	sdelay $0x1  }
0x2: {  	s3 =	srdreg.scid  }
0x3: {  	s0 =	sand.u32 $0x1, s3  }
0x4: {  	s17 =	sshll.u32 s0, $0xA;
	s1 =	sadd.s32 s2, s1  }
0x5: {  	s1 =	sadd.s32 s1, s17  }
0x6: {  	[smem:$0x3FC6] =	sst s1  }
0x7: {  	_ = 	snop  }
0x8: {  	(tm) =	ssettm $0x1  }
0x9: {  	s18 =	sld [smem:$0x3FFB];
	_ =	sdelay $0x3  }
0xa: {  	_ =	strace s18  }
0xb: {  	s1 =	sld [smem:$0x3FFC];
	_ =	sdelay $0x3  }
0xc: {  	_ =	strace s1  }
0xd: {  	s1 =	sld [smem:$0x3FFD];
	_ =	sdelay $0x3  }
0xe: {  	_ =	strace s1  }
0xf: {  	_ =	strace $0x8FFFFFFF  }
0x10: {  	s19 =	sld [smem:$0x3FDB];
	_ =	sdelay $0x1  }
0x11: {  	s20 =	simm.s32 $_scs_section_size  }
0x12: {  	s4 =	simm.s32 $_size__tile_overlayer_lowered;
	s5 =	simm.s32 $_tile_overlayer_lowered  }
0x13: {  	s23 =	simm.s32 $0x1BFF;
	s22 =	sshll.u32 s5, $0x1;
	s1 =	sadd.s32 s20, s19  }
0x14: {  	s6 =	simm.s32 $0x0;
	s21 =	sshll.u32 s4, $0x1;
	s4 =	sadd.s32 s22, s1  }
0x15: {  	[timem:s6], [sflag:s23] =	dma.local [hbm:s4], s21  }
0x16: {  	_ =	swait.ge [sflag:s23], s21  }
0x17: {  	s2 =	ssub.s32 $0x0, s21;
	[sflag:s23] =	ssyncset.done $0x0  }
0x18: {  	[sflag:s23] =	ssyncadd.s32 s2;
	_ =	sdelay $0x1  }
0x19: {  	s24 =	simm.s32 $0x1B8B  }
0x1a: {  	_ =	swait.ge [sflag:s24], $0x1  }
0x1b: {  	[sflag:s24] =	ssyncset.done $0x0  }
0x1c: {  	s26 =	simm.s32 $0x1B8E;
	s25 =	sld [smem:$0x3FFE];
	[sflag:s24] =	ssyncadd.s32 $0xFFFFFFFF  }
0x1d: {  	s27 =	simm.s32 $execute0_lowered;
	[smem:$0x3FD2] =	sst s26  }
0x1e: {  	s4 =	sshll.u32 s27, $0x1;
	_ =	strace $0x80000046;
	[dreg:$0x1] =	wrdreg $0xFFFFFFFF  }
0x1f: {  	s28 =	simm.s32 $_size_execute0_lowered;
	s1 =	sadd.s32 s1, s4;
	[dreg:$0x0] =	wrdreg $0x0  }
0x20: {  	s4 =	sshll.u32 s28, $0x1;
	[dreg:$0x2] =	wrdreg s1  }
0x21: {  	[dreg:$0x3] =	wrdreg s4  }
0x22: {  	[dreg:$0x4] =	wrdreg $0xC0  }
0x23: {  	_ =	task [dreg:s6], $0x5FFFF  }
0x24: {  	[dreg:$0x1] =	wrdreg $0xFFFFFFFF  }
0x25: {  	[dreg:$0x0] =	wrdreg $0x60  }
0x26: {  	[dreg:$0x2] =	wrdreg s25  }
0x27: {  	[dreg:$0x3] =	wrdreg $0x9  }
0x28: {  	_ =	task.clear_ibuf [dreg:s6], $0x4FFFF;
	_ =	strace $0x90000046  }
0x29: {  	s29 =	simm.s32 $0x9;
	_ =	strace $0x80000048  }
0x2a: {  	_ =	swait.ge [sflag:s29], $0x1  }
0x2b: {  	[sflag:s29] =	ssyncadd.s32 $0xFFFFFFFF  }
0x2c: {  	_ =	strace $0x90000048  }
0x2d: {  	_ =	sfence  }
0x2e: {  	s30 =	sld [smem:$0x0];
	_ =	sdelay $0x2  }
0x2f: {  	s31 =	sshll.u32 s3, $0xD;
	s3 =	sshrl.u32 s3, $0x2  }
0x30: {  	s2 =	sand.u32 $0x4000, s31;
	s1 =	sadd.s32 s3, s30  }
0x31: {  	s0 =	sor.u32 s2, s0;
	s1 =	sshll.u32 s1, $0x11  }
0x32: {  	s0 =	sor.u32 s1, s0  }
0x33: {  	s0 =	sadd.s32 $0x8F2B, s0  }
0x34: {  	[sflag:s0] =	ssyncadd.remote.s32 $0x1  }
0x35: {  	_ =	sfence.sel $0xFFFF  }
0x36: {  	[dreg:$0x0] =	wrdreg $0xFFFFFFFF;
	(pc) =	sbr.abs _section_cstart, $3  }
0x37: {  	[dreg:$0x1] =	wrdreg $0xFFFFFFFF  }
0x38: {  	_ =	task.clear_ibuf [dreg:s6], $0x2FFFF;
	_ =	strace $0x9FFFFFFF  }
0x39: {  	(tm) =	ssettm $0x7FFFFFFF  }
tec
execute0_lowered:
.L_overlay_start_1:
0x0: {  	(tag) =	ssettag $0x1  }
0x1: {  	s1 =	rddreg [dreg:$0x0]  }
0x2: {  	s0 =	rddreg [dreg:$0x1]  }
0x3: {  	_ =	strace $0x80000047;
	s4 =	srdreg.scid;
	s6 =	simm.s32 $0x2  }
0x4: {  	s11 =	simm.s32 $0x0;
	p0 =	por $0x0, $0x0;
	s7 =	simm.s32 $0x1000  }
.Ltmp0:
0x5: {  	s12 =	simm.s32 $0x0;
	s9 =	simm.s32 $0x0;
	(pc) =	sbr.rel .LBB1_1-.Ltmp0, $4  }
0x6: {  	s2 =	sadd.s32 $0x14600, s1;
	s3 =	sadd.s32 $0x114600, s1;
	s5 =	sshll.u32 s4, $0x4  }
0x7: {  	s1 =	stileid.u32;
	s4 =	simm.s32 $0x1;
	s5 =	sand.u32 $0x10, s5  }
0x8: {  	s8 =	simm.s32 $0x0;
	[sflag:s4] =	ssyncpa.u1 $0x0;
	s5 =	sor.u32 s1, s5  }
0x9: {  	[sflag:s6] =	ssyncpa.u1 $0x0;
	s6 =	simm.s32 $0x800;
	s10 =	smov.u32 s5  }
.LBB1_7:
0xa: {  	s13 =	sadd.s32 $0x10, s9  }
0xb: {  	s11 =	sadd.s32 $0x20, s10;
	s15 =	smov.u32 s10;
	p2 =	sgt.s32 s13, $0x1F  }
0xc: {  	p1 =	slt.u32 s8, $0x2;
	s15 =	smov.u32 @p2 s11  }
0xd: {  	s8 =	sadd.s32 $0x1, s8;
	s13 =	simm.s32 @p2 $0x0;
	p2 =	sgt.s32 s15, $0xFF  }
0xe: {  	s15 =	smov.u32 @p2 s5;
	p2 =	sne.s32 s8, $0x12  }
.Ltmp1:
0xf: {  	_ = 	snop;
	(pc) =	sbr.rel @!p2 .LBB1_8-.Ltmp1, $4  }
0x10: {  	s14 =	simm.s32 @!p1 $0x2  }
0x11: {  	s12 =	smov.u32 s10;
	_ =	swait.ge @!p1 [sflag:s14], $0x4000  }
0x12: {  	p0 =	por !p0, !p0;
	s11 =	smov.u32 s9;
	[sflag:s14] =	ssyncset.done @!p1 $0x0  }
0x13: {  	s9 =	smov.u32 s13;
	[sflag:s14] =	ssyncadd.s32 @!p1 $0xFFFFC000;
	s10 =	smov.u32 s15  }
.LBB1_1:
0x14: {  	p1 =	sgt.u32 s8, $0xF  }
0x15: {  	s13 =	sxor.u32 @!p1 $0xFFFFFFFF, s8;
	s14 =	sshll.u32 @!p1 s10, $0xC  }
0x16: {  	s15 =	sshll.u32 @!p1 s9, $0x7;
	s13 =	sshll.u32 @!p1 s13, $0xE;
	s14 =	sadd.s32 @!p1 s2, s14  }
0x17: {  	s13 =	sand.u32 @!p1 $0x4000, s13;
	s14 =	sadd.s32 @!p1 s15, s14;
	s15 =	simm.s32 @!p1 $0x0  }
0x18: {  	[tilespmem:s13], [sflag:$0x1] =	stream.linear.gather @!p1 [hbm4b:s14+s15], $0x4000, $0x38;
	[tilespmem:$0x10000] =	vst v63  }
0x19: {  	p1 =	seq.s32 s8, $0x0  }
0x1a: {  	p2 =	seq.s32 @!p1 s8, $0x11  }
0x1b: {  	p1 =	por p1, p2  }
.Ltmp2:
0x1c: {  	_ = 	snop;
	(pc) =	sbr.rel @p1 .LBB1_7-.Ltmp2, $1  }
0x1d: {  	_ =	sdelay $0x3  }
0x1e: {  	s13 =	simm.s32 $0x1;
	_ =	swait.ge [sflag:s4], $0x4000;
	s16 =	sshll.u32 s8, $0xE  }
0x1f: {  	s13 =	simm.s32 @!p0 $0x0;
	[sflag:s4] =	ssyncset.done $0x0;
	s31 =	sand.u32 $0x4000, s16  }
0x20: {  	s16 =	simm.s32 $0x0;
	s14 =	sshll.u32 s13, $0xE;
	[sflag:s4] =	ssyncadd.s32 $0xFFFFC000  }
0x21: {  	s13 =	sor.u32 $0x8040, s14;
	s15 =	sor.u32 $0x40, s14;
	s14 =	sor.u32 $0x8000, s31  }
.LBB1_3:
0x22: {  	v0 =	vmov s15;
	_ =	sdelay $0x3  }
0x23: {  	s18 =	simm.s32 $0x0  }
0x24: {  	v6 =	vld.idx.msk [tilespmem:v0+s18+$0x30 ss:$0x1], $0xffff  }
0x25: {  	v7 =	vld.idx.msk [tilespmem:v0+s18+$0xFFFFFFC0 ss:$0x1], $0xffff  }
0x26: {  	v5 =	vld.idx.msk [tilespmem:v0+s18+$0xFFFFFFD0 ss:$0x1], $0xffff  }
0x27: {  	v4 =	vld.idx.msk [tilespmem:v0+s18+$0xFFFFFFE0 ss:$0x1], $0xffff  }
0x28: {  	v3 =	vld.idx.msk [tilespmem:v0+s18+$0xFFFFFFF0 ss:$0x1], $0xffff  }
0x29: {  	v1 =	vld.idx.msk [tilespmem:v0+s18+$0x0 ss:$0x1], $0xffff  }
0x2a: {  	v2 =	vld.idx.msk [tilespmem:v0+s18+$0x10 ss:$0x1], $0xffff;
	[tilespmem:s13+$0x30] =	vst v6  }
0x2b: {  	s17 =	simm.s32 $0x80;
	s19 =	simm.s32 $0x400;
	[tilespmem:s13+$0xFFFFFFC0] =	vst v7;
	v6 =	vld.idx.msk [tilespmem:v0+s18+$0x20 ss:$0x1], $0xffff;
	s18 =	smov.u32 s13  }
.LBB1_4:
0x2c: {  	p1 =	sne.s32 s19, $0xE00;
	v7 =	vld.idx.msk [tilespmem:v0+s17+$0x30 ss:$0x1], $0xffff;
	[tilespmem:s18+$0xFFFFFFD0] =	vst v5  }
0x2d: {  	v8 =	vld.idx.msk [tilespmem:v0+s17+$0xFFFFFFC0 ss:$0x1], $0xffff;
	[tilespmem:s18+$0xFFFFFFE0] =	vst v4  }
0x2e: {  	v5 =	vld.idx.msk [tilespmem:v0+s17+$0xFFFFFFD0 ss:$0x1], $0xffff;
	[tilespmem:s18+$0xFFFFFFF0] =	vst v3  }
.Ltmp3:
0x2f: {  	v4 =	vld.idx.msk [tilespmem:v0+s17+$0xFFFFFFE0 ss:$0x1], $0xffff;
	[tilespmem:s18+$0x0] =	vst v1;
	(pc) =	sbr.rel @p1 .LBB1_4-.Ltmp3, $4  }
0x30: {  	v3 =	vld.idx.msk [tilespmem:v0+s17+$0xFFFFFFF0 ss:$0x1], $0xffff;
	[tilespmem:s18+$0x10] =	vst v2  }
0x31: {  	v1 =	vld.idx.msk [tilespmem:v0+s17+$0x0 ss:$0x1], $0xffff;
	[tilespmem:s18+$0x20] =	vst v6;
	s18 =	sadd.s32 $0x800, s18  }
0x32: {  	v2 =	vld.idx.msk [tilespmem:v0+s17+$0x10 ss:$0x1], $0xffff;
	[tilespmem:s18+$0x30] =	vst v7  }
0x33: {  	[tilespmem:s18+$0xFFFFFFC0] =	vst v8;
	v6 =	vld.idx.msk [tilespmem:v0+s17+$0x20 ss:$0x1], $0xffff;
	s17 =	sshra.s32 s19, $0x2;
	s19 =	sadd.s32 $0x200, s19  }
0x34: {  	_ =	sdelay $0x2  }
0x35: {  	[tilespmem:s18+$0xFFFFFFD0] =	vst v5  }
0x36: {  	v56 =	vld.idx.msk [tilespmem:v0+s17+$0x30 ss:$0x1], $0xffff;
	[tilespmem:s18+$0xFFFFFFE0] =	vst v4  }
0x37: {  	v57 =	vld.idx.msk [tilespmem:v0+s17+$0xFFFFFFC0 ss:$0x1], $0xffff;
	[tilespmem:s18+$0xFFFFFFF0] =	vst v3  }
0x38: {  	v58 =	vld.idx.msk [tilespmem:v0+s17+$0xFFFFFFD0 ss:$0x1], $0xffff;
	[tilespmem:s18+$0x0] =	vst v1  }
0x39: {  	v59 =	vld.idx.msk [tilespmem:v0+s17+$0xFFFFFFE0 ss:$0x1], $0xffff;
	[tilespmem:s18+$0x10] =	vst v2  }
0x3a: {  	v60 =	vld.idx.msk [tilespmem:v0+s17+$0xFFFFFFF0 ss:$0x1], $0xffff;
	s31 =	sadd.s32 $0x800, s18;
	[tilespmem:s18+$0x20] =	vst v6  }
0x3b: {  	v61 =	vld.idx.msk [tilespmem:v0+s17+$0x0 ss:$0x1], $0xffff;
	[tilespmem:s31+$0x30] =	vst v56  }
0x3c: {  	v62 =	vld.idx.msk [tilespmem:v0+s17+$0x10 ss:$0x1], $0xffff;
	s16 =	sadd.s32 $0x1, s16;
	[tilespmem:s31+$0xFFFFFFC0] =	vst v57  }
0x3d: {  	v63 =	vld.idx.msk [tilespmem:v0+s17+$0x20 ss:$0x1], $0xffff;
	p1 =	sne.s32 s16, $0x10;
	[tilespmem:s31+$0xFFFFFFD0] =	vst v58  }
.Ltmp4:
0x3e: {  	[tilespmem:s31+$0xFFFFFFE0] =	vst v59;
	(pc) =	sbr.rel @p1 .LBB1_3-.Ltmp4, $4  }
0x3f: {  	[tilespmem:s31+$0xFFFFFFF0] =	vst v60  }
0x40: {  	[tilespmem:s31+$0x0] =	vst v61  }
0x41: {  	[tilespmem:s31+$0x10] =	vst v62  }
0x42: {  	s13 =	sadd.s32 $0x80, s13;
	s15 =	sadd.s32 $0x400, s15;
	[tilespmem:s31+$0x20] =	vst v63  }
.Ltmp5:
0x43: {  	(pc) =	sbr.rel .LBB1_7-.Ltmp5, $4  }
0x44: {  	s12 =	sshll.u32 s12, $0xC;
	s11 =	sshll.u32 s11, $0x4  }
0x45: {  	s11 =	sand.u32 $0x1F0, s11;
	s12 =	sadd.s32 s3, s12  }
0x46: {  	s11 =	sadd.s32 s11, s12  }
0x47: {  	[hbm4b:s11+s6] =	stream.strided.scatter [tilespmem:s14], [sflag:$0x2], $0x4000, s7, s6, $0x38;
	[tilespmem:$0x10000] =	vst v63  }
.LBB1_8:
0x48: {  	_ =	sfence.sel $0x180000  }
0x49: {  	s2 =	simm.s32 $0x1;
	[bflag:$0x0] =	sbarrier.arrive $0xFFFF  }
0x4a: {  	s31 =	simm.s32 $0x2;
	[sflag:s2] =	ssyncpa.u1 $0x1  }
0x4b: {  	[sflag:s31] =	ssyncpa.u1 $0x1  }
0x4c: {  	p0 =	sne.s32 s1, $0x0;
	_ =	strace $0x90000047  }
0x4d: {  	s0 =	sadd.s32 @!p0 $0x100000, s0;
	[bflag:$0x2] =	sbarrier.arrive $0xFFFF  }
0x4e: {  	[sflag:s0] =	ssyncadd.tile.s32 @!p0 $0x1;
	_ =	shalt  }
.Lfunc_end1:
_tile_overlayer_lowered:
.L_overlay_start_2:
0x4f: {  	(tag) =	ssettag $0x2  }
0x50: {  	s0 =	rddreg [dreg:$0x0];
	s2 =	stileid.u32  }
0x51: {  	s1 =	rddreg [dreg:$0x1];
	p0 =	sne.s32 s2, $0x0  }
0x52: {  	s3 =	rddreg [dreg:$0x2];
	[bflag:$0x3] =	sbarrier.arrive $0xFFFF;
	s2 =	simm.s32 @!p0 $0x1C01  }
0x53: {  	[timem:s3], [sflag:s2] =	dma.local @!p0 [hbm:s0], s1  }
0x54: {  	s0 =	simm.s32 @!p0 $0x1  }
0x55: {  	_ =	swait.ge @!p0 [sflag:s0], s1  }
0x56: {  	s1 =	ssub.s32 @!p0 $0x0, s1;
	[sflag:s0] =	ssyncset.done @!p0 $0x0  }
0x57: {  	[sflag:s0] =	ssyncadd.s32 @!p0 s1  }
0x58: {  	[bflag:$0x3] =	sbarrier.arrive $0xFFFF  }
0x59: {  	_ =	shalt  }

</sc_bundles>
